<compile_context>
chip_gen: v7x
topology: tpu7x:2x2x1
jax: 0.10.2.dev20260603
libtpu: 0.0.44.dev20260713+nightly
codegen_flags: <defaults>
</compile_context>

<pallas_src>
import functools

import jax
import jax.numpy as jnp
from jax import lax
from jax.experimental import pallas as pl
from jax.experimental.pallas import tpu as pltpu
from jax.experimental.pallas import tpu_sc as plsc

B, C, T, K = 32, 256, 4096, 64
BETA = 10.0

NC = 2
NS = 16
NW = NC * NS
ROWS = B * K
RPW = ROWS // NW
CHUNK = 8
NCHUNK = RPW // CHUNK


def _argmax_body(a_ref, g_ref):
    a = a_ref[...]
    am = jnp.max(a, axis=1, keepdims=True)
    iota_c = lax.broadcasted_iota(jnp.int32, (K, C), 1)
    idx = jnp.min(jnp.where(a == am, iota_c, C), axis=1)
    idx2 = jnp.concatenate([idx, idx])
    bi = (lax.broadcasted_iota(jnp.int32, (ROWS // 128, 128), 0) * 2
          + lax.broadcasted_iota(jnp.int32, (ROWS // 128, 128), 1) // K)
    g_ref[...] = bi * C + idx2[None, :]


def _softmax_body(a_ref, p_ref, w_ref):
    a = a_ref[...]
    s = a * (1.0 / BETA)
    m = jnp.max(s, axis=1, keepdims=True)
    e = jnp.exp(s - m)
    p = e / jnp.sum(e, axis=1, keepdims=True)

    am = jnp.max(a, axis=1, keepdims=True)
    iota_c = lax.broadcasted_iota(jnp.int32, (K, C), 1)
    idx = jnp.min(jnp.where(a == am, iota_c, C), axis=1)
    hard = (iota_c == idx[:, None]).astype(a.dtype)

    p_ref[...] = p
    w_ref[...] = p + (hard - p)


_argmax_call = pl.pallas_call(
    _argmax_body,
    out_shape=jax.ShapeDtypeStruct((ROWS // 128, 128), jnp.int32),
)

_softmax_call = pl.pallas_call(
    _softmax_body,
    out_shape=(
        jax.ShapeDtypeStruct((K, C), jnp.float32),
        jax.ShapeDtypeStruct((K, C), jnp.float32),
    ),
)

_mesh = plsc.VectorSubcoreMesh(core_axis_name="c", subcore_axis_name="s")

NBUF = 3


@functools.partial(
    pl.kernel,
    mesh=_mesh,
    out_type=jax.ShapeDtypeStruct((ROWS, T), jnp.float32),
    scratch_types=(
        [pltpu.VMEM((2 * RPW,), jnp.int32)]
        + [pltpu.VMEM((CHUNK, T), jnp.float32)] * NBUF
        + [pltpu.SemaphoreType.DMA] * (2 * NBUF)
    ),
)
def _gather(x_hbm, g_hbm, z_hbm, idx_v, *bufs_sems):
    bufs = bufs_sems[:NBUF]
    gsems = bufs_sems[NBUF:2 * NBUF]
    ssems = bufs_sems[2 * NBUF:]
    wid = lax.axis_index("s") * NC + lax.axis_index("c")
    base = wid * RPW
    pltpu.sync_copy(g_hbm.at[wid >> 1], idx_v)
    ioff = pl.multiple_of((wid & 1) * RPW, 8)

    gcp, scp = {}, {}
    for c in range(NBUF):
        gcp[c] = pltpu.async_copy(
            x_hbm.at[idx_v.at[pl.ds(ioff + c * CHUNK, CHUNK)]],
            bufs[c % NBUF], gsems[c % NBUF])
    for c in range(NCHUNK):
        gcp[c].wait()
        scp[c] = pltpu.async_copy(
            bufs[c % NBUF],
            z_hbm.at[pl.ds(base + c * CHUNK, CHUNK)], ssems[c % NBUF])
        if c + NBUF < NCHUNK:
            scp[c].wait()
            gcp[c + NBUF] = pltpu.async_copy(
                x_hbm.at[idx_v.at[pl.ds(ioff + (c + NBUF) * CHUNK, CHUNK)]],
                bufs[c % NBUF], gsems[c % NBUF])
    for c in range(max(0, NCHUNK - NBUF), NCHUNK):
        scp[c].wait()


def kernel(x, alpha):
    g = _argmax_call(alpha)
    x2 = x.reshape(B * C, T)
    z = _gather(x2, g)
    p, w = _softmax_call(alpha)
    return (z.reshape(B, 1, K, T), w, p)

# --- scband reference (transcript-rebuilt; emitter-appended) ---
"""Pipeline reference for scband-concrete-multi-selector-1537598292247 (READ-ONLY COPY).

The authoritative reference and input builder live on the scoring server;
editing this copy changes nothing except your own understanding.
"""

import jax, jax.numpy as jnp
import numpy as np

B, C, T, K = 32, 256, 4096, 64
BETA = 10.0  # beta_start at _t=0 (no epochs stepped)


def setup_inputs(seed: int = 0) -> dict:
    key = jax.random.key(seed)
    k1, k2 = jax.random.split(key)
    x = jax.random.normal(k1, (B, 1, C, T), dtype=jnp.float32)
    # learned parameter alpha [K, C], init uniform(-0.01, 0.01) like the torch module
    alpha = jax.random.uniform(k2, (K, C), minval=-0.01, maxval=0.01, dtype=jnp.float32)
    return {"x": x, "alpha": alpha}


def reference(x, alpha):
    # training path, per_sample=False (no gumbel noise -> deterministic),
    # train_soft_only=False -> straight-through (hard forward, soft backward)
    P_soft = jax.nn.softmax(alpha / BETA, axis=1)            # [K, C]
    idx = jnp.argmax(alpha, axis=1)                          # [K]
    W_hard = jax.nn.one_hot(idx, C, dtype=P_soft.dtype)     # [K, C]
    W = P_soft + jax.lax.stop_gradient(W_hard - P_soft)     # ST estimator
    z = jnp.einsum('kc,bct->bkt', W, x[:, 0])[:, None]      # [B, 1, K, T]
    return (z, W, P_soft)

if __name__ == "__main__":
    import jax
    _d = setup_inputs()
    print(jax.jit(kernel)(*tuple(_d.values())))

</pallas_src>

<mosaic_0001>
#map = affine_map<(d0, d1) -> (0, 0)>
module attributes {stable_mosaic.version = 14 : i64} {
  func.func @_gather(%arg0: i32, %arg1: i32, %arg2: memref<8192x4096xf32, #tpu.memory_space<hbm>>, %arg3: memref<16x128xi32, #tpu.memory_space<hbm>>, %arg4: memref<2048x4096xf32, #tpu.memory_space<hbm>>, %arg5: memref<128xi32, #tpu.memory_space<vmem>>, %arg6: memref<8x4096xf32, #tpu.memory_space<vmem>>, %arg7: memref<8x4096xf32, #tpu.memory_space<vmem>>, %arg8: memref<8x4096xf32, #tpu.memory_space<vmem>>, %arg9: memref<!tpu.dma_semaphore, #tpu.memory_space<semaphore_mem>>, %arg10: memref<!tpu.dma_semaphore, #tpu.memory_space<semaphore_mem>>, %arg11: memref<!tpu.dma_semaphore, #tpu.memory_space<semaphore_mem>>, %arg12: memref<!tpu.dma_semaphore, #tpu.memory_space<semaphore_mem>>, %arg13: memref<!tpu.dma_semaphore, #tpu.memory_space<semaphore_mem>>, %arg14: memref<!tpu.dma_semaphore, #tpu.memory_space<semaphore_mem>>) attributes {dimension_semantics = [#tpu.dimension_semantics<core_parallel>, #tpu.dimension_semantics<subcore_parallel>], iteration_bounds = array<i64: 2, 16>, scalar_prefetch = 0 : i64, scratch_operands = 10 : i64, tpu.core_type = #tpu.core_type<sc_vector_subcore>, window_params = [{transform_indices = #map}, {transform_indices = #map}, {transform_indices = #map}]} {
    %mul3A = arith.constant 2 : i32
    %mul3A_0 = arith.muli %arg1, %mul3A : i32
    %add3A = arith.addi %mul3A_0, %arg0 : i32
    %mul3A_1 = arith.constant 64 : i32
    %mul3A_2 = arith.muli %add3A, %mul3A_1 : i32
    %shift_right_arithmetic3A = arith.constant 1 : i32
    %shift_right_arithmetic3A_3 = arith.shrsi %add3A, %shift_right_arithmetic3A : i32
    "tpu.region"() ({
      %run_scoped3A = tpu.sem_alloc : memref<!tpu.dma_semaphore, #tpu.memory_space<semaphore_mem>>
      %dma_start3A_165 = arith.constant 0 : i32
      %dma_start3A_166 = tpu.memref_slice %arg3[%shift_right_arithmetic3A_3, %dma_start3A_165] : memref<16x128xi32, #tpu.memory_space<hbm>> -> memref<1x128xi32, #tpu.memory_space<hbm>>
      %dma_start3A_167 = tpu.memref_squeeze %dma_start3A_166 : memref<1x128xi32, #tpu.memory_space<hbm>> -> memref<128xi32, #tpu.memory_space<hbm>>
      %dma_start3A_168 = arith.constant 0 : i32
      %dma_start3A_169 = tpu.memref_slice %arg3[%shift_right_arithmetic3A_3, %dma_start3A_168] : memref<16x128xi32, #tpu.memory_space<hbm>> -> memref<1x128xi32, #tpu.memory_space<hbm>>
      %dma_start3A_170 = tpu.memref_squeeze %dma_start3A_169 : memref<1x128xi32, #tpu.memory_space<hbm>> -> memref<128xi32, #tpu.memory_space<hbm>>
      tpu.enqueue_dma source(%dma_start3A_170 : memref<128xi32, #tpu.memory_space<hbm>>) target(%arg5 : memref<128xi32, #tpu.memory_space<vmem>>) target_semaphore(%run_scoped3A : memref<!tpu.dma_semaphore, #tpu.memory_space<semaphore_mem>>)
      %dma_wait3A_171 = arith.constant 0 : i32
      %dma_wait3A_172 = tpu.memref_slice %arg3[%shift_right_arithmetic3A_3, %dma_wait3A_171] : memref<16x128xi32, #tpu.memory_space<hbm>> -> memref<1x128xi32, #tpu.memory_space<hbm>>
      %dma_wait3A_173 = tpu.memref_squeeze %dma_wait3A_172 : memref<1x128xi32, #tpu.memory_space<hbm>> -> memref<128xi32, #tpu.memory_space<hbm>>
      %dma_wait3A_174 = arith.constant 0 : i32
      %dma_wait3A_175 = tpu.memref_slice %arg3[%shift_right_arithmetic3A_3, %dma_wait3A_174] : memref<16x128xi32, #tpu.memory_space<hbm>> -> memref<1x128xi32, #tpu.memory_space<hbm>>
      %dma_wait3A_176 = tpu.memref_squeeze %dma_wait3A_175 : memref<1x128xi32, #tpu.memory_space<hbm>> -> memref<128xi32, #tpu.memory_space<hbm>>
      tpu.wait_dma2 semaphore(%run_scoped3A : memref<!tpu.dma_semaphore, #tpu.memory_space<semaphore_mem>>) src(%dma_wait3A_176 : memref<128xi32, #tpu.memory_space<hbm>>) dst(%arg5 : memref<128xi32, #tpu.memory_space<vmem>>)
      tpu.yield
    }) : () -> ()
    %and3A = arith.constant 1 : i32
    %and3A_4 = arith.andi %add3A, %and3A : i32
    %mul3A_5 = arith.constant 64 : i32
    %mul3A_6 = arith.muli %and3A_4, %mul3A_5 : i32
    %multiple_of3A = tpu.assume_multiple %mul3A_6, 8 : i32
    %add3A_7 = arith.constant 0 : i32
    %add3A_8 = arith.addi %multiple_of3A, %add3A_7 : i32
    %dma_start3A = tpu.memref_slice %arg5[%add3A_8] : memref<128xi32, #tpu.memory_space<vmem>> -> memref<8xi32, #tpu.memory_space<vmem>>
    %dma_start3A_9 = arith.constant 0 : i32
    %dma_start3A_10 = arith.constant 0 : i32
    %dma_start3A_11 = tpu.memref_slice %arg2[%dma_start3A_9, %dma_start3A_10] : memref<8192x4096xf32, #tpu.memory_space<hbm>> -> memref<8192x4096xf32, #tpu.memory_space<hbm>>
    tpu.enqueue_indirect_dma source(%dma_start3A_11 : memref<8192x4096xf32, #tpu.memory_space<hbm>>) target(%arg6 : memref<8x4096xf32, #tpu.memory_space<vmem>>) offsets(%dma_start3A : memref<8xi32, #tpu.memory_space<vmem>>) semaphore(%arg9 : memref<!tpu.dma_semaphore, #tpu.memory_space<semaphore_mem>>)
    %add3A_12 = arith.constant 8 : i32
    %add3A_13 = arith.addi %multiple_of3A, %add3A_12 : i32
    %dma_start3A_14 = tpu.memref_slice %arg5[%add3A_13] : memref<128xi32, #tpu.memory_space<vmem>> -> memref<8xi32, #tpu.memory_space<vmem>>
    %dma_start3A_15 = arith.constant 0 : i32
    %dma_start3A_16 = arith.constant 0 : i32
    %dma_start3A_17 = tpu.memref_slice %arg2[%dma_start3A_15, %dma_start3A_16] : memref<8192x4096xf32, #tpu.memory_space<hbm>> -> memref<8192x4096xf32, #tpu.memory_space<hbm>>
    tpu.enqueue_indirect_dma source(%dma_start3A_17 : memref<8192x4096xf32, #tpu.memory_space<hbm>>) target(%arg7 : memref<8x4096xf32, #tpu.memory_space<vmem>>) offsets(%dma_start3A_14 : memref<8xi32, #tpu.memory_space<vmem>>) semaphore(%arg10 : memref<!tpu.dma_semaphore, #tpu.memory_space<semaphore_mem>>)
    %add3A_18 = arith.constant 16 : i32
    %add3A_19 = arith.addi %multiple_of3A, %add3A_18 : i32
    %dma_start3A_20 = tpu.memref_slice %arg5[%add3A_19] : memref<128xi32, #tpu.memory_space<vmem>> -> memref<8xi32, #tpu.memory_space<vmem>>
    %dma_start3A_21 = arith.constant 0 : i32
    %dma_start3A_22 = arith.constant 0 : i32
    %dma_start3A_23 = tpu.memref_slice %arg2[%dma_start3A_21, %dma_start3A_22] : memref<8192x4096xf32, #tpu.memory_space<hbm>> -> memref<8192x4096xf32, #tpu.memory_space<hbm>>
    tpu.enqueue_indirect_dma source(%dma_start3A_23 : memref<8192x4096xf32, #tpu.memory_space<hbm>>) target(%arg8 : memref<8x4096xf32, #tpu.memory_space<vmem>>) offsets(%dma_start3A_20 : memref<8xi32, #tpu.memory_space<vmem>>) semaphore(%arg11 : memref<!tpu.dma_semaphore, #tpu.memory_space<semaphore_mem>>)
    %dma_wait3A = tpu.memref_slice %arg5[%add3A_8] : memref<128xi32, #tpu.memory_space<vmem>> -> memref<8xi32, #tpu.memory_space<vmem>>
    %dma_wait3A_24 = arith.constant 0 : i32
    %dma_wait3A_25 = arith.constant 0 : i32
    %dma_wait3A_26 = tpu.memref_slice %arg2[%dma_wait3A_24, %dma_wait3A_25] : memref<8192x4096xf32, #tpu.memory_space<hbm>> -> memref<8192x4096xf32, #tpu.memory_space<hbm>>
    tpu.wait_indirect_dma semaphore(%arg9 : memref<!tpu.dma_semaphore, #tpu.memory_space<semaphore_mem>>) src(%dma_wait3A_26 : memref<8192x4096xf32, #tpu.memory_space<hbm>>) dst(%arg6 : memref<8x4096xf32, #tpu.memory_space<vmem>>)
    %add3A_27 = arith.constant 0 : i32
    %add3A_28 = arith.addi %mul3A_2, %add3A_27 : i32
    %dma_start3A_29 = arith.constant 0 : i32
    %dma_start3A_30 = tpu.memref_slice %arg4[%add3A_28, %dma_start3A_29] : memref<2048x4096xf32, #tpu.memory_space<hbm>> -> memref<8x4096xf32, #tpu.memory_space<hbm>>
    %dma_start3A_31 = arith.constant 0 : i32
    %dma_start3A_32 = tpu.memref_slice %arg4[%add3A_28, %dma_start3A_31] : memref<2048x4096xf32, #tpu.memory_space<hbm>> -> memref<8x4096xf32, #tpu.memory_space<hbm>>
    tpu.enqueue_dma source(%arg6 : memref<8x4096xf32, #tpu.memory_space<vmem>>) target(%dma_start3A_32 : memref<8x4096xf32, #tpu.memory_space<hbm>>) target_semaphore(%arg12 : memref<!tpu.dma_semaphore, #tpu.memory_space<semaphore_mem>>)
    %dma_wait3A_33 = arith.constant 0 : i32
    %dma_wait3A_34 = tpu.memref_slice %arg4[%add3A_28, %dma_wait3A_33] : memref<2048x4096xf32, #tpu.memory_space<hbm>> -> memref<8x4096xf32, #tpu.memory_space<hbm>>
    %dma_wait3A_35 = arith.constant 0 : i32
    %dma_wait3A_36 = tpu.memref_slice %arg4[%add3A_28, %dma_wait3A_35] : memref<2048x4096xf32, #tpu.memory_space<hbm>> -> memref<8x4096xf32, #tpu.memory_space<hbm>>
    tpu.wait_dma2 semaphore(%arg12 : memref<!tpu.dma_semaphore, #tpu.memory_space<semaphore_mem>>) src(%arg6 : memref<8x4096xf32, #tpu.memory_space<vmem>>) dst(%dma_wait3A_36 : memref<8x4096xf32, #tpu.memory_space<hbm>>)
    %add3A_37 = arith.constant 24 : i32
    %add3A_38 = arith.addi %multiple_of3A, %add3A_37 : i32
    %dma_start3A_39 = tpu.memref_slice %arg5[%add3A_38] : memref<128xi32, #tpu.memory_space<vmem>> -> memref<8xi32, #tpu.memory_space<vmem>>
    %dma_start3A_40 = arith.constant 0 : i32
    %dma_start3A_41 = arith.constant 0 : i32
    %dma_start3A_42 = tpu.memref_slice %arg2[%dma_start3A_40, %dma_start3A_41] : memref<8192x4096xf32, #tpu.memory_space<hbm>> -> memref<8192x4096xf32, #tpu.memory_space<hbm>>
    tpu.enqueue_indirect_dma source(%dma_start3A_42 : memref<8192x4096xf32, #tpu.memory_space<hbm>>) target(%arg6 : memref<8x4096xf32, #tpu.memory_space<vmem>>) offsets(%dma_start3A_39 : memref<8xi32, #tpu.memory_space<vmem>>) semaphore(%arg9 : memref<!tpu.dma_semaphore, #tpu.memory_space<semaphore_mem>>)
    %dma_wait3A_43 = tpu.memref_slice %arg5[%add3A_13] : memref<128xi32, #tpu.memory_space<vmem>> -> memref<8xi32, #tpu.memory_space<vmem>>
    %dma_wait3A_44 = arith.constant 0 : i32
    %dma_wait3A_45 = arith.constant 0 : i32
    %dma_wait3A_46 = tpu.memref_slice %arg2[%dma_wait3A_44, %dma_wait3A_45] : memref<8192x4096xf32, #tpu.memory_space<hbm>> -> memref<8192x4096xf32, #tpu.memory_space<hbm>>
    tpu.wait_indirect_dma semaphore(%arg10 : memref<!tpu.dma_semaphore, #tpu.memory_space<semaphore_mem>>) src(%dma_wait3A_46 : memref<8192x4096xf32, #tpu.memory_space<hbm>>) dst(%arg7 : memref<8x4096xf32, #tpu.memory_space<vmem>>)
    %add3A_47 = arith.constant 8 : i32
    %add3A_48 = arith.addi %mul3A_2, %add3A_47 : i32
    %dma_start3A_49 = arith.constant 0 : i32
    %dma_start3A_50 = tpu.memref_slice %arg4[%add3A_48, %dma_start3A_49] : memref<2048x4096xf32, #tpu.memory_space<hbm>> -> memref<8x4096xf32, #tpu.memory_space<hbm>>
    %dma_start3A_51 = arith.constant 0 : i32
    %dma_start3A_52 = tpu.memref_slice %arg4[%add3A_48, %dma_start3A_51] : memref<2048x4096xf32, #tpu.memory_space<hbm>> -> memref<8x4096xf32, #tpu.memory_space<hbm>>
    tpu.enqueue_dma source(%arg7 : memref<8x4096xf32, #tpu.memory_space<vmem>>) target(%dma_start3A_52 : memref<8x4096xf32, #tpu.memory_space<hbm>>) target_semaphore(%arg13 : memref<!tpu.dma_semaphore, #tpu.memory_space<semaphore_mem>>)
    %dma_wait3A_53 = arith.constant 0 : i32
    %dma_wait3A_54 = tpu.memref_slice %arg4[%add3A_48, %dma_wait3A_53] : memref<2048x4096xf32, #tpu.memory_space<hbm>> -> memref<8x4096xf32, #tpu.memory_space<hbm>>
    %dma_wait3A_55 = arith.constant 0 : i32
    %dma_wait3A_56 = tpu.memref_slice %arg4[%add3A_48, %dma_wait3A_55] : memref<2048x4096xf32, #tpu.memory_space<hbm>> -> memref<8x4096xf32, #tpu.memory_space<hbm>>
    tpu.wait_dma2 semaphore(%arg13 : memref<!tpu.dma_semaphore, #tpu.memory_space<semaphore_mem>>) src(%arg7 : memref<8x4096xf32, #tpu.memory_space<vmem>>) dst(%dma_wait3A_56 : memref<8x4096xf32, #tpu.memory_space<hbm>>)
    %add3A_57 = arith.constant 32 : i32
    %add3A_58 = arith.addi %multiple_of3A, %add3A_57 : i32
    %dma_start3A_59 = tpu.memref_slice %arg5[%add3A_58] : memref<128xi32, #tpu.memory_space<vmem>> -> memref<8xi32, #tpu.memory_space<vmem>>
    %dma_start3A_60 = arith.constant 0 : i32
    %dma_start3A_61 = arith.constant 0 : i32
    %dma_start3A_62 = tpu.memref_slice %arg2[%dma_start3A_60, %dma_start3A_61] : memref<8192x4096xf32, #tpu.memory_space<hbm>> -> memref<8192x4096xf32, #tpu.memory_space<hbm>>
    tpu.enqueue_indirect_dma source(%dma_start3A_62 : memref<8192x4096xf32, #tpu.memory_space<hbm>>) target(%arg7 : memref<8x4096xf32, #tpu.memory_space<vmem>>) offsets(%dma_start3A_59 : memref<8xi32, #tpu.memory_space<vmem>>) semaphore(%arg10 : memref<!tpu.dma_semaphore, #tpu.memory_space<semaphore_mem>>)
    %dma_wait3A_63 = tpu.memref_slice %arg5[%add3A_19] : memref<128xi32, #tpu.memory_space<vmem>> -> memref<8xi32, #tpu.memory_space<vmem>>
    %dma_wait3A_64 = arith.constant 0 : i32
    %dma_wait3A_65 = arith.constant 0 : i32
    %dma_wait3A_66 = tpu.memref_slice %arg2[%dma_wait3A_64, %dma_wait3A_65] : memref<8192x4096xf32, #tpu.memory_space<hbm>> -> memref<8192x4096xf32, #tpu.memory_space<hbm>>
    tpu.wait_indirect_dma semaphore(%arg11 : memref<!tpu.dma_semaphore, #tpu.memory_space<semaphore_mem>>) src(%dma_wait3A_66 : memref<8192x4096xf32, #tpu.memory_space<hbm>>) dst(%arg8 : memref<8x4096xf32, #tpu.memory_space<vmem>>)
    %add3A_67 = arith.constant 16 : i32
    %add3A_68 = arith.addi %mul3A_2, %add3A_67 : i32
    %dma_start3A_69 = arith.constant 0 : i32
    %dma_start3A_70 = tpu.memref_slice %arg4[%add3A_68, %dma_start3A_69] : memref<2048x4096xf32, #tpu.memory_space<hbm>> -> memref<8x4096xf32, #tpu.memory_space<hbm>>
    %dma_start3A_71 = arith.constant 0 : i32
    %dma_start3A_72 = tpu.memref_slice %arg4[%add3A_68, %dma_start3A_71] : memref<2048x4096xf32, #tpu.memory_space<hbm>> -> memref<8x4096xf32, #tpu.memory_space<hbm>>
    tpu.enqueue_dma source(%arg8 : memref<8x4096xf32, #tpu.memory_space<vmem>>) target(%dma_start3A_72 : memref<8x4096xf32, #tpu.memory_space<hbm>>) target_semaphore(%arg14 : memref<!tpu.dma_semaphore, #tpu.memory_space<semaphore_mem>>)
    %dma_wait3A_73 = arith.constant 0 : i32
    %dma_wait3A_74 = tpu.memref_slice %arg4[%add3A_68, %dma_wait3A_73] : memref<2048x4096xf32, #tpu.memory_space<hbm>> -> memref<8x4096xf32, #tpu.memory_space<hbm>>
    %dma_wait3A_75 = arith.constant 0 : i32
    %dma_wait3A_76 = tpu.memref_slice %arg4[%add3A_68, %dma_wait3A_75] : memref<2048x4096xf32, #tpu.memory_space<hbm>> -> memref<8x4096xf32, #tpu.memory_space<hbm>>
    tpu.wait_dma2 semaphore(%arg14 : memref<!tpu.dma_semaphore, #tpu.memory_space<semaphore_mem>>) src(%arg8 : memref<8x4096xf32, #tpu.memory_space<vmem>>) dst(%dma_wait3A_76 : memref<8x4096xf32, #tpu.memory_space<hbm>>)
    %add3A_77 = arith.constant 40 : i32
    %add3A_78 = arith.addi %multiple_of3A, %add3A_77 : i32
    %dma_start3A_79 = tpu.memref_slice %arg5[%add3A_78] : memref<128xi32, #tpu.memory_space<vmem>> -> memref<8xi32, #tpu.memory_space<vmem>>
    %dma_start3A_80 = arith.constant 0 : i32
    %dma_start3A_81 = arith.constant 0 : i32
    %dma_start3A_82 = tpu.memref_slice %arg2[%dma_start3A_80, %dma_start3A_81] : memref<8192x4096xf32, #tpu.memory_space<hbm>> -> memref<8192x4096xf32, #tpu.memory_space<hbm>>
    tpu.enqueue_indirect_dma source(%dma_start3A_82 : memref<8192x4096xf32, #tpu.memory_space<hbm>>) target(%arg8 : memref<8x4096xf32, #tpu.memory_space<vmem>>) offsets(%dma_start3A_79 : memref<8xi32, #tpu.memory_space<vmem>>) semaphore(%arg11 : memref<!tpu.dma_semaphore, #tpu.memory_space<semaphore_mem>>)
    %dma_wait3A_83 = tpu.memref_slice %arg5[%add3A_38] : memref<128xi32, #tpu.memory_space<vmem>> -> memref<8xi32, #tpu.memory_space<vmem>>
    %dma_wait3A_84 = arith.constant 0 : i32
    %dma_wait3A_85 = arith.constant 0 : i32
    %dma_wait3A_86 = tpu.memref_slice %arg2[%dma_wait3A_84, %dma_wait3A_85] : memref<8192x4096xf32, #tpu.memory_space<hbm>> -> memref<8192x4096xf32, #tpu.memory_space<hbm>>
    tpu.wait_indirect_dma semaphore(%arg9 : memref<!tpu.dma_semaphore, #tpu.memory_space<semaphore_mem>>) src(%dma_wait3A_86 : memref<8192x4096xf32, #tpu.memory_space<hbm>>) dst(%arg6 : memref<8x4096xf32, #tpu.memory_space<vmem>>)
    %add3A_87 = arith.constant 24 : i32
    %add3A_88 = arith.addi %mul3A_2, %add3A_87 : i32
    %dma_start3A_89 = arith.constant 0 : i32
    %dma_start3A_90 = tpu.memref_slice %arg4[%add3A_88, %dma_start3A_89] : memref<2048x4096xf32, #tpu.memory_space<hbm>> -> memref<8x4096xf32, #tpu.memory_space<hbm>>
    %dma_start3A_91 = arith.constant 0 : i32
    %dma_start3A_92 = tpu.memref_slice %arg4[%add3A_88, %dma_start3A_91] : memref<2048x4096xf32, #tpu.memory_space<hbm>> -> memref<8x4096xf32, #tpu.memory_space<hbm>>
    tpu.enqueue_dma source(%arg6 : memref<8x4096xf32, #tpu.memory_space<vmem>>) target(%dma_start3A_92 : memref<8x4096xf32, #tpu.memory_space<hbm>>) target_semaphore(%arg12 : memref<!tpu.dma_semaphore, #tpu.memory_space<semaphore_mem>>)
    %dma_wait3A_93 = arith.constant 0 : i32
    %dma_wait3A_94 = tpu.memref_slice %arg4[%add3A_88, %dma_wait3A_93] : memref<2048x4096xf32, #tpu.memory_space<hbm>> -> memref<8x4096xf32, #tpu.memory_space<hbm>>
    %dma_wait3A_95 = arith.constant 0 : i32
    %dma_wait3A_96 = tpu.memref_slice %arg4[%add3A_88, %dma_wait3A_95] : memref<2048x4096xf32, #tpu.memory_space<hbm>> -> memref<8x4096xf32, #tpu.memory_space<hbm>>
    tpu.wait_dma2 semaphore(%arg12 : memref<!tpu.dma_semaphore, #tpu.memory_space<semaphore_mem>>) src(%arg6 : memref<8x4096xf32, #tpu.memory_space<vmem>>) dst(%dma_wait3A_96 : memref<8x4096xf32, #tpu.memory_space<hbm>>)
    %add3A_97 = arith.constant 48 : i32
    %add3A_98 = arith.addi %multiple_of3A, %add3A_97 : i32
    %dma_start3A_99 = tpu.memref_slice %arg5[%add3A_98] : memref<128xi32, #tpu.memory_space<vmem>> -> memref<8xi32, #tpu.memory_space<vmem>>
    %dma_start3A_100 = arith.constant 0 : i32
    %dma_start3A_101 = arith.constant 0 : i32
    %dma_start3A_102 = tpu.memref_slice %arg2[%dma_start3A_100, %dma_start3A_101] : memref<8192x4096xf32, #tpu.memory_space<hbm>> -> memref<8192x4096xf32, #tpu.memory_space<hbm>>
    tpu.enqueue_indirect_dma source(%dma_start3A_102 : memref<8192x4096xf32, #tpu.memory_space<hbm>>) target(%arg6 : memref<8x4096xf32, #tpu.memory_space<vmem>>) offsets(%dma_start3A_99 : memref<8xi32, #tpu.memory_space<vmem>>) semaphore(%arg9 : memref<!tpu.dma_semaphore, #tpu.memory_space<semaphore_mem>>)
    %dma_wait3A_103 = tpu.memref_slice %arg5[%add3A_58] : memref<128xi32, #tpu.memory_space<vmem>> -> memref<8xi32, #tpu.memory_space<vmem>>
    %dma_wait3A_104 = arith.constant 0 : i32
    %dma_wait3A_105 = arith.constant 0 : i32
    %dma_wait3A_106 = tpu.memref_slice %arg2[%dma_wait3A_104, %dma_wait3A_105] : memref<8192x4096xf32, #tpu.memory_space<hbm>> -> memref<8192x4096xf32, #tpu.memory_space<hbm>>
    tpu.wait_indirect_dma semaphore(%arg10 : memref<!tpu.dma_semaphore, #tpu.memory_space<semaphore_mem>>) src(%dma_wait3A_106 : memref<8192x4096xf32, #tpu.memory_space<hbm>>) dst(%arg7 : memref<8x4096xf32, #tpu.memory_space<vmem>>)
    %add3A_107 = arith.constant 32 : i32
    %add3A_108 = arith.addi %mul3A_2, %add3A_107 : i32
    %dma_start3A_109 = arith.constant 0 : i32
    %dma_start3A_110 = tpu.memref_slice %arg4[%add3A_108, %dma_start3A_109] : memref<2048x4096xf32, #tpu.memory_space<hbm>> -> memref<8x4096xf32, #tpu.memory_space<hbm>>
    %dma_start3A_111 = arith.constant 0 : i32
    %dma_start3A_112 = tpu.memref_slice %arg4[%add3A_108, %dma_start3A_111] : memref<2048x4096xf32, #tpu.memory_space<hbm>> -> memref<8x4096xf32, #tpu.memory_space<hbm>>
    tpu.enqueue_dma source(%arg7 : memref<8x4096xf32, #tpu.memory_space<vmem>>) target(%dma_start3A_112 : memref<8x4096xf32, #tpu.memory_space<hbm>>) target_semaphore(%arg13 : memref<!tpu.dma_semaphore, #tpu.memory_space<semaphore_mem>>)
    %dma_wait3A_113 = arith.constant 0 : i32
    %dma_wait3A_114 = tpu.memref_slice %arg4[%add3A_108, %dma_wait3A_113] : memref<2048x4096xf32, #tpu.memory_space<hbm>> -> memref<8x4096xf32, #tpu.memory_space<hbm>>
    %dma_wait3A_115 = arith.constant 0 : i32
    %dma_wait3A_116 = tpu.memref_slice %arg4[%add3A_108, %dma_wait3A_115] : memref<2048x4096xf32, #tpu.memory_space<hbm>> -> memref<8x4096xf32, #tpu.memory_space<hbm>>
    tpu.wait_dma2 semaphore(%arg13 : memref<!tpu.dma_semaphore, #tpu.memory_space<semaphore_mem>>) src(%arg7 : memref<8x4096xf32, #tpu.memory_space<vmem>>) dst(%dma_wait3A_116 : memref<8x4096xf32, #tpu.memory_space<hbm>>)
    %add3A_117 = arith.constant 56 : i32
    %add3A_118 = arith.addi %multiple_of3A, %add3A_117 : i32
    %dma_start3A_119 = tpu.memref_slice %arg5[%add3A_118] : memref<128xi32, #tpu.memory_space<vmem>> -> memref<8xi32, #tpu.memory_space<vmem>>
    %dma_start3A_120 = arith.constant 0 : i32
    %dma_start3A_121 = arith.constant 0 : i32
    %dma_start3A_122 = tpu.memref_slice %arg2[%dma_start3A_120, %dma_start3A_121] : memref<8192x4096xf32, #tpu.memory_space<hbm>> -> memref<8192x4096xf32, #tpu.memory_space<hbm>>
    tpu.enqueue_indirect_dma source(%dma_start3A_122 : memref<8192x4096xf32, #tpu.memory_space<hbm>>) target(%arg7 : memref<8x4096xf32, #tpu.memory_space<vmem>>) offsets(%dma_start3A_119 : memref<8xi32, #tpu.memory_space<vmem>>) semaphore(%arg10 : memref<!tpu.dma_semaphore, #tpu.memory_space<semaphore_mem>>)
    %dma_wait3A_123 = tpu.memref_slice %arg5[%add3A_78] : memref<128xi32, #tpu.memory_space<vmem>> -> memref<8xi32, #tpu.memory_space<vmem>>
    %dma_wait3A_124 = arith.constant 0 : i32
    %dma_wait3A_125 = arith.constant 0 : i32
    %dma_wait3A_126 = tpu.memref_slice %arg2[%dma_wait3A_124, %dma_wait3A_125] : memref<8192x4096xf32, #tpu.memory_space<hbm>> -> memref<8192x4096xf32, #tpu.memory_space<hbm>>
    tpu.wait_indirect_dma semaphore(%arg11 : memref<!tpu.dma_semaphore, #tpu.memory_space<semaphore_mem>>) src(%dma_wait3A_126 : memref<8192x4096xf32, #tpu.memory_space<hbm>>) dst(%arg8 : memref<8x4096xf32, #tpu.memory_space<vmem>>)
    %add3A_127 = arith.constant 40 : i32
    %add3A_128 = arith.addi %mul3A_2, %add3A_127 : i32
    %dma_start3A_129 = arith.constant 0 : i32
    %dma_start3A_130 = tpu.memref_slice %arg4[%add3A_128, %dma_start3A_129] : memref<2048x4096xf32, #tpu.memory_space<hbm>> -> memref<8x4096xf32, #tpu.memory_space<hbm>>
    %dma_start3A_131 = arith.constant 0 : i32
    %dma_start3A_132 = tpu.memref_slice %arg4[%add3A_128, %dma_start3A_131] : memref<2048x4096xf32, #tpu.memory_space<hbm>> -> memref<8x4096xf32, #tpu.memory_space<hbm>>
    tpu.enqueue_dma source(%arg8 : memref<8x4096xf32, #tpu.memory_space<vmem>>) target(%dma_start3A_132 : memref<8x4096xf32, #tpu.memory_space<hbm>>) target_semaphore(%arg14 : memref<!tpu.dma_semaphore, #tpu.memory_space<semaphore_mem>>)
    %dma_wait3A_133 = tpu.memref_slice %arg5[%add3A_98] : memref<128xi32, #tpu.memory_space<vmem>> -> memref<8xi32, #tpu.memory_space<vmem>>
    %dma_wait3A_134 = arith.constant 0 : i32
    %dma_wait3A_135 = arith.constant 0 : i32
    %dma_wait3A_136 = tpu.memref_slice %arg2[%dma_wait3A_134, %dma_wait3A_135] : memref<8192x4096xf32, #tpu.memory_space<hbm>> -> memref<8192x4096xf32, #tpu.memory_space<hbm>>
    tpu.wait_indirect_dma semaphore(%arg9 : memref<!tpu.dma_semaphore, #tpu.memory_space<semaphore_mem>>) src(%dma_wait3A_136 : memref<8192x4096xf32, #tpu.memory_space<hbm>>) dst(%arg6 : memref<8x4096xf32, #tpu.memory_space<vmem>>)
    %add3A_137 = arith.constant 48 : i32
    %add3A_138 = arith.addi %mul3A_2, %add3A_137 : i32
    %dma_start3A_139 = arith.constant 0 : i32
    %dma_start3A_140 = tpu.memref_slice %arg4[%add3A_138, %dma_start3A_139] : memref<2048x4096xf32, #tpu.memory_space<hbm>> -> memref<8x4096xf32, #tpu.memory_space<hbm>>
    %dma_start3A_141 = arith.constant 0 : i32
    %dma_start3A_142 = tpu.memref_slice %arg4[%add3A_138, %dma_start3A_141] : memref<2048x4096xf32, #tpu.memory_space<hbm>> -> memref<8x4096xf32, #tpu.memory_space<hbm>>
    tpu.enqueue_dma source(%arg6 : memref<8x4096xf32, #tpu.memory_space<vmem>>) target(%dma_start3A_142 : memref<8x4096xf32, #tpu.memory_space<hbm>>) target_semaphore(%arg12 : memref<!tpu.dma_semaphore, #tpu.memory_space<semaphore_mem>>)
    %dma_wait3A_143 = tpu.memref_slice %arg5[%add3A_118] : memref<128xi32, #tpu.memory_space<vmem>> -> memref<8xi32, #tpu.memory_space<vmem>>
    %dma_wait3A_144 = arith.constant 0 : i32
    %dma_wait3A_145 = arith.constant 0 : i32
    %dma_wait3A_146 = tpu.memref_slice %arg2[%dma_wait3A_144, %dma_wait3A_145] : memref<8192x4096xf32, #tpu.memory_space<hbm>> -> memref<8192x4096xf32, #tpu.memory_space<hbm>>
    tpu.wait_indirect_dma semaphore(%arg10 : memref<!tpu.dma_semaphore, #tpu.memory_space<semaphore_mem>>) src(%dma_wait3A_146 : memref<8192x4096xf32, #tpu.memory_space<hbm>>) dst(%arg7 : memref<8x4096xf32, #tpu.memory_space<vmem>>)
    %add3A_147 = arith.constant 56 : i32
    %add3A_148 = arith.addi %mul3A_2, %add3A_147 : i32
    %dma_start3A_149 = arith.constant 0 : i32
    %dma_start3A_150 = tpu.memref_slice %arg4[%add3A_148, %dma_start3A_149] : memref<2048x4096xf32, #tpu.memory_space<hbm>> -> memref<8x4096xf32, #tpu.memory_space<hbm>>
    %dma_start3A_151 = arith.constant 0 : i32
    %dma_start3A_152 = tpu.memref_slice %arg4[%add3A_148, %dma_start3A_151] : memref<2048x4096xf32, #tpu.memory_space<hbm>> -> memref<8x4096xf32, #tpu.memory_space<hbm>>
    tpu.enqueue_dma source(%arg7 : memref<8x4096xf32, #tpu.memory_space<vmem>>) target(%dma_start3A_152 : memref<8x4096xf32, #tpu.memory_space<hbm>>) target_semaphore(%arg13 : memref<!tpu.dma_semaphore, #tpu.memory_space<semaphore_mem>>)
    %dma_wait3A_153 = arith.constant 0 : i32
    %dma_wait3A_154 = tpu.memref_slice %arg4[%add3A_128, %dma_wait3A_153] : memref<2048x4096xf32, #tpu.memory_space<hbm>> -> memref<8x4096xf32, #tpu.memory_space<hbm>>
    %dma_wait3A_155 = arith.constant 0 : i32
    %dma_wait3A_156 = tpu.memref_slice %arg4[%add3A_128, %dma_wait3A_155] : memref<2048x4096xf32, #tpu.memory_space<hbm>> -> memref<8x4096xf32, #tpu.memory_space<hbm>>
    tpu.wait_dma2 semaphore(%arg14 : memref<!tpu.dma_semaphore, #tpu.memory_space<semaphore_mem>>) src(%arg8 : memref<8x4096xf32, #tpu.memory_space<vmem>>) dst(%dma_wait3A_156 : memref<8x4096xf32, #tpu.memory_space<hbm>>)
    %dma_wait3A_157 = arith.constant 0 : i32
    %dma_wait3A_158 = tpu.memref_slice %arg4[%add3A_138, %dma_wait3A_157] : memref<2048x4096xf32, #tpu.memory_space<hbm>> -> memref<8x4096xf32, #tpu.memory_space<hbm>>
    %dma_wait3A_159 = arith.constant 0 : i32
    %dma_wait3A_160 = tpu.memref_slice %arg4[%add3A_138, %dma_wait3A_159] : memref<2048x4096xf32, #tpu.memory_space<hbm>> -> memref<8x4096xf32, #tpu.memory_space<hbm>>
    tpu.wait_dma2 semaphore(%arg12 : memref<!tpu.dma_semaphore, #tpu.memory_space<semaphore_mem>>) src(%arg6 : memref<8x4096xf32, #tpu.memory_space<vmem>>) dst(%dma_wait3A_160 : memref<8x4096xf32, #tpu.memory_space<hbm>>)
    %dma_wait3A_161 = arith.constant 0 : i32
    %dma_wait3A_162 = tpu.memref_slice %arg4[%add3A_148, %dma_wait3A_161] : memref<2048x4096xf32, #tpu.memory_space<hbm>> -> memref<8x4096xf32, #tpu.memory_space<hbm>>
    %dma_wait3A_163 = arith.constant 0 : i32
    %dma_wait3A_164 = tpu.memref_slice %arg4[%add3A_148, %dma_wait3A_163] : memref<2048x4096xf32, #tpu.memory_space<hbm>> -> memref<8x4096xf32, #tpu.memory_space<hbm>>
    tpu.wait_dma2 semaphore(%arg13 : memref<!tpu.dma_semaphore, #tpu.memory_space<semaphore_mem>>) src(%arg7 : memref<8x4096xf32, #tpu.memory_space<vmem>>) dst(%dma_wait3A_164 : memref<8x4096xf32, #tpu.memory_space<hbm>>)
    return
  }
}

module attributes {stable_mosaic.version = 14 : i64} {
  func.func @_argmax_body(%arg0: memref<64x256xf32, #tpu.memory_space<vmem>>, %arg1: memref<16x128xi32, #tpu.memory_space<vmem>>) attributes {dimension_semantics = [], scalar_prefetch = 0 : i64, scratch_operands = 0 : i64, tpu.core_type = #tpu.core_type<tc>} {
    %get3A = arith.constant 0 : index
    %get3A_0 = arith.constant 0 : index
    %get3A_1 = vector.load %arg0[%get3A, %get3A_0] : memref<64x256xf32, #tpu.memory_space<vmem>>, vector<64x256xf32>
    %reduce_max3A = arith.constant dense<0xFF800000> : vector<64xf32>
    %reduce_max3A_2 = vector.multi_reduction <maximumf>, %get3A_1, %reduce_max3A [1] : vector<64x256xf32> to vector<64xf32>
    %broadcast_in_dim3A = vector.shape_cast %reduce_max3A_2 : vector<64xf32> to vector<64x1xf32>
    %iota3A = tpu.iota {dimensions = array<i32: 1>} : vector<64x256xi32>
    %eq3A = vector.broadcast %broadcast_in_dim3A : vector<64x1xf32> to vector<64x256xf32>
    %eq3A_3 = arith.cmpf oeq, %get3A_1, %eq3A : vector<64x256xf32>
    %jit3A = arith.constant 256 : i32
    %broadcast_in_dim3A_4 = vector.broadcast %jit3A : i32 to vector<64x256xi32>
    %select_n3A = arith.select %eq3A_3, %iota3A, %broadcast_in_dim3A_4 : vector<64x256xi1>, vector<64x256xi32>
    %reduce_min3A = arith.constant dense<2147483647> : vector<64xi32>
    %reduce_min3A_5 = vector.multi_reduction <minsi>, %select_n3A, %reduce_min3A [1] : vector<64x256xi32> to vector<64xi32>
    %concatenate3A = tpu.concatenate %reduce_min3A_5, %reduce_min3A_5 in 0 : vector<64xi32>, vector<64xi32> -> vector<128xi32>
    %iota3A_6 = tpu.iota {dimensions = array<i32: 0>} : vector<16x128xi32>
    %mul3A = arith.constant 2 : i32
    %mul3A_7 = vector.broadcast %mul3A : i32 to vector<16x128xi32>
    %mul3A_8 = arith.muli %iota3A_6, %mul3A_7 : vector<16x128xi32>
    %iota3A_9 = tpu.iota {dimensions = array<i32: 1>} : vector<16x128xi32>
    %jit3A_10 = arith.constant 64 : i32
    %div3A = vector.broadcast %jit3A_10 : i32 to vector<16x128xi32>
    %div3A_11 = arith.divsi %iota3A_9, %div3A : vector<16x128xi32>
    %sign3A = arith.constant 0 : i32
    %sign3A_12 = vector.broadcast %sign3A : i32 to vector<16x128xi32>
    %sign3A_13 = arith.cmpi sgt, %iota3A_9, %sign3A_12 : vector<16x128xi32>
    %sign3A_14 = arith.extui %sign3A_13 : vector<16x128xi1> to vector<16x128xi32>
    %sign3A_15 = arith.constant 0 : i32
    %sign3A_16 = vector.broadcast %sign3A_15 : i32 to vector<16x128xi32>
    %sign3A_17 = arith.cmpi slt, %iota3A_9, %sign3A_16 : vector<16x128xi32>
    %sign3A_18 = arith.extui %sign3A_17 : vector<16x128xi1> to vector<16x128xi32>
    %sign3A_19 = arith.subi %sign3A_14, %sign3A_18 : vector<16x128xi32>
    %sign3A_20 = arith.constant 0 : i32
    %sign3A_21 = arith.cmpi sgt, %jit3A_10, %sign3A_20 : i32
    %sign3A_22 = arith.extui %sign3A_21 : i1 to i32
    %sign3A_23 = arith.constant 0 : i32
    %sign3A_24 = arith.cmpi slt, %jit3A_10, %sign3A_23 : i32
    %sign3A_25 = arith.extui %sign3A_24 : i1 to i32
    %sign3A_26 = arith.subi %sign3A_22, %sign3A_25 : i32
    %ne3A = vector.broadcast %sign3A_26 : i32 to vector<16x128xi32>
    %ne3A_27 = arith.cmpi ne, %sign3A_19, %ne3A : vector<16x128xi32>
    %rem3A = vector.broadcast %jit3A_10 : i32 to vector<16x128xi32>
    %rem3A_28 = arith.remsi %iota3A_9, %rem3A : vector<16x128xi32>
    %ne3A_29 = arith.constant 0 : i32
    %ne3A_30 = vector.broadcast %ne3A_29 : i32 to vector<16x128xi32>
    %ne3A_31 = arith.cmpi ne, %rem3A_28, %ne3A_30 : vector<16x128xi32>
    %and3A = arith.andi %ne3A_27, %ne3A_31 : vector<16x128xi1>
    %sub3A = arith.constant 1 : i32
    %sub3A_32 = vector.broadcast %sub3A : i32 to vector<16x128xi32>
    %sub3A_33 = arith.subi %div3A_11, %sub3A_32 : vector<16x128xi32>
    %select_n3A_34 = arith.select %and3A, %sub3A_33, %div3A_11 : vector<16x128xi1>, vector<16x128xi32>
    %add3A = arith.addi %mul3A_8, %select_n3A_34 : vector<16x128xi32>
    %mul3A_35 = arith.constant 256 : i32
    %mul3A_36 = vector.broadcast %mul3A_35 : i32 to vector<16x128xi32>
    %mul3A_37 = arith.muli %add3A, %mul3A_36 : vector<16x128xi32>
    %broadcast_in_dim3A_38 = vector.shape_cast %concatenate3A : vector<128xi32> to vector<1x128xi32>
    %add3A_39 = vector.broadcast %broadcast_in_dim3A_38 : vector<1x128xi32> to vector<16x128xi32>
    %add3A_40 = arith.addi %mul3A_37, %add3A_39 : vector<16x128xi32>
    %swap3A = arith.constant 0 : index
    %swap3A_41 = arith.constant 0 : index
    %swap3A_42 = vector.load %arg1[%swap3A, %swap3A_41] : memref<16x128xi32, #tpu.memory_space<vmem>>, vector<16x128xi32>
    tpu.vector_store %arg1[%swap3A, %swap3A_41], %add3A_40 {strides = array<i32>} : memref<16x128xi32, #tpu.memory_space<vmem>>, vector<16x128xi32>,
    return
  }
}

module attributes {stable_mosaic.version = 14 : i64} {
  func.func @_softmax_body(%arg0: memref<64x256xf32, #tpu.memory_space<vmem>>, %arg1: memref<64x256xf32, #tpu.memory_space<vmem>>, %arg2: memref<64x256xf32, #tpu.memory_space<vmem>>) attributes {dimension_semantics = [], scalar_prefetch = 0 : i64, scratch_operands = 0 : i64, tpu.core_type = #tpu.core_type<tc>} {
    %get3A = arith.constant 0 : index
    %get3A_0 = arith.constant 0 : index
    %get3A_1 = vector.load %arg0[%get3A, %get3A_0] : memref<64x256xf32, #tpu.memory_space<vmem>>, vector<64x256xf32>
    %mul3A = arith.constant 1.000000e-01 : f32
    %mul3A_2 = vector.broadcast %mul3A : f32 to vector<64x256xf32>
    %mul3A_3 = arith.mulf %get3A_1, %mul3A_2 : vector<64x256xf32>
    %reduce_max3A = arith.constant dense<0xFF800000> : vector<64xf32>
    %reduce_max3A_4 = vector.multi_reduction <maximumf>, %mul3A_3, %reduce_max3A [1] : vector<64x256xf32> to vector<64xf32>
    %broadcast_in_dim3A = vector.shape_cast %reduce_max3A_4 : vector<64xf32> to vector<64x1xf32>
    %sub3A = vector.broadcast %broadcast_in_dim3A : vector<64x1xf32> to vector<64x256xf32>
    %sub3A_5 = arith.subf %mul3A_3, %sub3A : vector<64x256xf32>
    %exp3A = math.exp %sub3A_5 : vector<64x256xf32>
    %reduce_sum3A = arith.constant dense<0.000000e+00> : vector<64xf32>
    %reduce_sum3A_6 = vector.multi_reduction <add>, %exp3A, %reduce_sum3A [1] : vector<64x256xf32> to vector<64xf32>
    %broadcast_in_dim3A_7 = vector.shape_cast %reduce_sum3A_6 : vector<64xf32> to vector<64x1xf32>
    %div3A = vector.broadcast %broadcast_in_dim3A_7 : vector<64x1xf32> to vector<64x256xf32>
    %div3A_8 = arith.divf %exp3A, %div3A : vector<64x256xf32>
    %reduce_max3A_9 = arith.constant dense<0xFF800000> : vector<64xf32>
    %reduce_max3A_10 = vector.multi_reduction <maximumf>, %get3A_1, %reduce_max3A_9 [1] : vector<64x256xf32> to vector<64xf32>
    %broadcast_in_dim3A_11 = vector.shape_cast %reduce_max3A_10 : vector<64xf32> to vector<64x1xf32>
    %iota3A = tpu.iota {dimensions = array<i32: 1>} : vector<64x256xi32>
    %eq3A = vector.broadcast %broadcast_in_dim3A_11 : vector<64x1xf32> to vector<64x256xf32>
    %eq3A_12 = arith.cmpf oeq, %get3A_1, %eq3A : vector<64x256xf32>
    %jit3A = arith.constant 256 : i32
    %broadcast_in_dim3A_13 = vector.broadcast %jit3A : i32 to vector<64x256xi32>
    %select_n3A = arith.select %eq3A_12, %iota3A, %broadcast_in_dim3A_13 : vector<64x256xi1>, vector<64x256xi32>
    %reduce_min3A = arith.constant dense<2147483647> : vector<64xi32>
    %reduce_min3A_14 = vector.multi_reduction <minsi>, %select_n3A, %reduce_min3A [1] : vector<64x256xi32> to vector<64xi32>
    %broadcast_in_dim3A_15 = vector.shape_cast %reduce_min3A_14 : vector<64xi32> to vector<64x1xi32>
    %eq3A_16 = vector.broadcast %broadcast_in_dim3A_15 : vector<64x1xi32> to vector<64x256xi32>
    %eq3A_17 = arith.cmpi eq, %iota3A, %eq3A_16 : vector<64x256xi32>
    %convert_element_type3A = arith.extui %eq3A_17 : vector<64x256xi1> to vector<64x256xi32>
    %convert_element_type3A_18 = arith.sitofp %convert_element_type3A : vector<64x256xi32> to vector<64x256xf32>
    %swap3A = arith.constant 0 : index
    %swap3A_19 = arith.constant 0 : index
    %swap3A_20 = vector.load %arg1[%swap3A, %swap3A_19] : memref<64x256xf32, #tpu.memory_space<vmem>>, vector<64x256xf32>
    tpu.vector_store %arg1[%swap3A, %swap3A_19], %div3A_8 {strides = array<i32>} : memref<64x256xf32, #tpu.memory_space<vmem>>, vector<64x256xf32>,
    %sub3A_21 = arith.subf %convert_element_type3A_18, %div3A_8 : vector<64x256xf32>
    %add3A = arith.addf %div3A_8, %sub3A_21 : vector<64x256xf32>
    %swap3A_22 = arith.constant 0 : index
    %swap3A_23 = arith.constant 0 : index
    %swap3A_24 = vector.load %arg2[%swap3A_22, %swap3A_23] : memref<64x256xf32, #tpu.memory_space<vmem>>, vector<64x256xf32>
    tpu.vector_store %arg2[%swap3A_22, %swap3A_23], %add3A {strides = array<i32>} : memref<64x256xf32, #tpu.memory_space<vmem>>, vector<64x256xf32>,
    return
  }
}

</mosaic_0001>

<sc_bundles>
// kernel: kernel.5.cloned.1.call-start
scs
__scs_entry_jumppad:
0x0: {  	(pc) =	sbr.rel $0x88, $3  }
0x1: {  	(tag) =	ssettag $0x0;
	lr =	simm.s32 $0x1  }
0x2: {  	[smem:$0x3F9F] =	sst lr;
	_ =	strace $0xD0000000  }
0x3: {  	_ = 	snop  }
0x4: {  	_ = 	snop  }
0x5: {  	_ = 	snop  }
0x6: {  	_ = 	snop  }
0x7: {  	_ = 	snop  }
__scs_overlays_trampoline_lowered:
0x8: {  	[smem:$0x3FAE] =	sst s0  }
0x9: {  	[smem:$0x3FAF] =	sst s1  }
0xa: {  	[smem:$0x3FB0] =	sst s2  }
0xb: {  	[smem:$0x3FB1] =	sst s3  }
0xc: {  	[smem:$0x3FB2] =	sst s4  }
0xd: {  	[smem:$0x3FB3] =	sst s5  }
0xe: {  	[smem:$0x3FB4] =	sst s6  }
0xf: {  	[smem:$0x3FB5] =	sst s7  }
0x10: {  	[smem:$0x3FB6] =	sst s8  }
0x11: {  	[smem:$0x3FB7] =	sst s9;
	s0 =	simm.s32 @!p0 $0x0  }
0x12: {  	s1 =	sld [smem:$0x3F9D];
	s0 =	simm.s32 @p0 $0x1  }
0x13: {  	[smem:$0x3FB8] =	sst s0;
	s0 =	simm.s32 @!p1 $0x0  }
0x14: {  	s2 =	sld [smem:$0x3F9C];
	s0 =	simm.s32 @p1 $0x1  }
0x15: {  	[smem:$0x3FB9] =	sst s0;
	s0 =	simm.s32 @!p2 $0x0  }
0x16: {  	s3 =	sld [smem:$0x3FDB];
	s0 =	simm.s32 @p2 $0x1  }
0x17: {  	s4 =	simm.s32 $0x1BF5;
	[smem:$0x3FBB] =	sst s0  }
0x18: {  	s0 =	sld [smem:$0x3F9E];
	_ =	swait.ge [sflag:s4], $0x0  }
0x19: {  	s7 =	sld [smem:$0x3F9F]  }
0x1a: {  	s8 =	sadd.s32 $0xFFFFE003, lr  }
0x1b: {  	s9 =	sadd.s32 $0xFFFFFEF7, lr;
	s5 =	simm.s32 $0xFFFFFFFF;
	p2 =	slt.u32 s8, $0xFFFFF086  }
0x1c: {  	p1 =	slt.u32 s9, $0xF7A;
	s5 =	simm.s32 @!p2 $0x0  }
0x1d: {  	s5 =	simm.s32 @p1 $0x1;
	p0 =	seq.s32 s7, s2  }
0x1e: {  	s7 =	smul.u32 @!p0 $0xF7A, s2;
	p2 =	seq.s32 @!p0 s5, $0x0  }
0x1f: {  	s9 =	smul.u32 $0xF7A, s1;
	s8 =	simm.s32 @!p0 $0x1BF5;
	p2 =	por !p2, p0  }
0x20: {  	[sflag:s8] =	ssyncset.s32 @!p0 $0xFFFFF086;
	s6 =	sadd.s32 @!p0 s3, s7;
	s7 =	simm.s32 @!p0 $0x108  }
0x21: {  	s3 =	sadd.s32 s3, s9;
	s6 =	sadd.s32 @!p0 $0x88, s6;
	s7 =	simm.s32 @p2 $0x1082  }
0x22: {  	[simem:s7], [sflag:s8] =	dma.local @!p0 [hbm:s6], $0xF7A  }
0x23: {  	s9 =	sor.u32 $0xD0000000, s2;
	s6 =	simm.s32 $0x108;
	_ =	swait.ge @!p0 [sflag:s8], $0x0  }
0x24: {  	s3 =	sadd.s32 $0x88, s3;
	s6 =	simm.s32 @!p1 $0x1082;
	[sflag:s4] =	ssyncset.s32 $0xFFFFF086  }
0x25: {  	[simem:s6], [sflag:s4] =	dma.local [hbm:s3], $0xF7A  }
0x26: {  	[smem:$0x3F9F] =	sst s1;
	(tag) =	ssettag s2;
	_ =	strace s9  }
0x27: {  	s1 =	sld [smem:$0x3FAF]  }
0x28: {  	s2 =	sld [smem:$0x3FB0]  }
0x29: {  	s4 =	sld [smem:$0x3FB2]  }
0x2a: {  	p0 =	seq.s32 s5, $0x0;
	s5 =	sld [smem:$0x3FB3]  }
0x2b: {  	s6 =	sld [smem:$0x3FB4]  }
0x2c: {  	s7 =	sld [smem:$0x3FB5]  }
0x2d: {  	s3 =	simm.s32 $0x108;
	s8 =	sld [smem:$0x3FB6]  }
0x2e: {  	s3 =	simm.s32 @!p0 $0x1082;
	s9 =	sld [smem:$0x3FB7]  }
0x2f: {  	lr =	sadd.s32 s0, s3;
	s0 =	sld [smem:$0x3FAE]  }
0x30: {  	s3 =	sld [smem:$0x3FB1]  }
0x31: {  	[smem:$0x3FBA] =	sst s10  }
0x32: {  	s10 =	sld [smem:$0x3FB8];
	_ =	sdelay $0x3  }
0x33: {  	p0 =	seq.s32 s10, $0x1;
	s10 =	sld [smem:$0x3FBA];
	_ =	sdelay $0x3  }
0x34: {  	[smem:$0x3FBA] =	sst s10  }
0x35: {  	s10 =	sld [smem:$0x3FB9];
	_ =	sdelay $0x3  }
0x36: {  	p1 =	seq.s32 s10, $0x1;
	s10 =	sld [smem:$0x3FBA];
	_ =	sdelay $0x3  }
0x37: {  	[smem:$0x3FBA] =	sst s10  }
0x38: {  	s10 =	sld [smem:$0x3FBB]  }
0x39: {  	_ = 	snop;
	(pc) =	sbr.ind lr, $3  }
0x3a: {  	_ = 	snop  }
0x3b: {  	_ = 	snop  }
0x3c: {  	p2 =	seq.s32 s10, $0x1;
	s10 =	sld [smem:$0x3FBA]  }
0x3d: {  	_ =	shalt  }
0x3e: {  	_ =	shalt  }
0x3f: {  	_ =	shalt  }
0x40: {  	_ =	shalt  }
0x41: {  	_ =	shalt  }
0x42: {  	_ =	shalt  }
0x43: {  	_ =	shalt  }
0x44: {  	_ =	shalt  }
0x45: {  	_ =	shalt  }
0x46: {  	_ =	shalt  }
0x47: {  	_ =	shalt  }
0x48: {  	_ =	shalt  }
0x49: {  	_ =	shalt  }
0x4a: {  	_ =	shalt  }
0x4b: {  	_ =	shalt  }
0x4c: {  	_ =	shalt  }
0x4d: {  	_ =	shalt  }
0x4e: {  	_ =	shalt  }
0x4f: {  	_ =	shalt  }
0x50: {  	_ =	shalt  }
0x51: {  	_ =	shalt  }
0x52: {  	_ =	shalt  }
0x53: {  	_ =	shalt  }
0x54: {  	_ =	shalt  }
0x55: {  	_ =	shalt  }
0x56: {  	_ =	shalt  }
0x57: {  	_ =	shalt  }
0x58: {  	_ =	shalt  }
0x59: {  	_ =	shalt  }
0x5a: {  	_ =	shalt  }
0x5b: {  	_ =	shalt  }
0x5c: {  	_ =	shalt  }
0x5d: {  	_ =	shalt  }
0x5e: {  	_ =	shalt  }
0x5f: {  	_ =	shalt  }
0x60: {  	_ =	shalt  }
0x61: {  	_ =	shalt  }
0x62: {  	_ =	shalt  }
0x63: {  	_ =	shalt  }
0x64: {  	_ =	shalt  }
0x65: {  	_ =	shalt  }
0x66: {  	_ =	shalt  }
0x67: {  	_ =	shalt  }
0x68: {  	_ =	shalt  }
0x69: {  	_ =	shalt  }
0x6a: {  	_ =	shalt  }
0x6b: {  	_ =	shalt  }
0x6c: {  	_ =	shalt  }
0x6d: {  	_ =	shalt  }
0x6e: {  	_ =	shalt  }
0x6f: {  	_ =	shalt  }
0x70: {  	_ =	shalt  }
0x71: {  	_ =	shalt  }
0x72: {  	_ =	shalt  }
0x73: {  	_ =	shalt  }
0x74: {  	_ =	shalt  }
0x75: {  	_ =	shalt  }
0x76: {  	_ =	shalt  }
0x77: {  	_ =	shalt  }
0x78: {  	_ =	shalt  }
0x79: {  	_ =	shalt  }
0x7a: {  	_ =	shalt  }
0x7b: {  	_ =	shalt  }
0x7c: {  	_ =	shalt  }
0x7d: {  	_ =	shalt  }
0x7e: {  	_ =	shalt  }
0x7f: {  	_ =	shalt  }
0x80: {  	_ =	shalt  }
0x81: {  	_ =	shalt  }
0x82: {  	_ =	shalt  }
0x83: {  	_ =	shalt  }
0x84: {  	_ =	shalt  }
0x85: {  	_ =	shalt  }
0x86: {  	_ =	shalt  }
0x87: {  	_ =	shalt  }
.Lfunc_end0:
.L_simem_size_0:
called_computation_lowered:
.L_overlay_start_0:
0x88: {  	s2 =	sld [smem:$0x3FD9]  }
0x89: {  	s3 =	sld [smem:$0x3FFE];
	_ =	sdelay $0x1  }
0x8a: {  	s1 =	srdreg.scid  }
0x8b: {  	s0 =	sand.u32 $0x1, s1  }
0x8c: {  	s14 =	sshll.u32 s0, $0xA;
	s2 =	sadd.s32 s3, s2  }
0x8d: {  	s2 =	sadd.s32 s2, s14  }
0x8e: {  	[smem:$0x3FC6] =	sst s2  }
0x8f: {  	_ = 	snop  }
0x90: {  	s2 =	sld [smem:$0x3FD0];
	_ =	sdelay $0x2  }
0x91: {  	s4 =	simm.s32 $0xA;
	s5 =	simm.s32 $0x10;
	s15 =	sld [smem:$0x3FC9]  }
0x92: {  	[smem:s5], [sflag:s4] =	dma.local [hbm:s2], $0x1  }
0x93: {  	_ =	swait.eq [sflag:s4], $0x1  }
0x94: {  	[sflag:s4] =	ssyncset.done $0x0  }
0x95: {  	[sflag:s4] =	ssyncadd.s32 $0xFFFFFFFF  }
0x96: {  	s16 =	sld [smem:$0x10];
	(tm) =	ssettm $0x1  }
0x97: {  	s17 =	sld [smem:$0x3FFB];
	_ =	sdelay $0x3  }
0x98: {  	_ =	strace s17  }
0x99: {  	s4 =	sld [smem:$0x3FFC];
	_ =	sdelay $0x3  }
0x9a: {  	_ =	strace s4  }
0x9b: {  	s4 =	sld [smem:$0x3FFD];
	_ =	sdelay $0x3  }
0x9c: {  	_ =	strace s4  }
0x9d: {  	_ =	strace $0x8FFFFFFF  }
0x9e: {  	s18 =	sld [smem:$0x3FDB];
	_ =	sdelay $0x1  }
0x9f: {  	s19 =	simm.s32 $_scs_section_size  }
0xa0: {  	s6 =	simm.s32 $_size__tile_overlayer_lowered;
	s7 =	simm.s32 $_tile_overlayer_lowered  }
0xa1: {  	s22 =	simm.s32 $0x1BFF;
	s21 =	sshll.u32 s7, $0x1;
	s4 =	sadd.s32 s19, s18  }
0xa2: {  	s8 =	simm.s32 $0x0;
	s20 =	sshll.u32 s6, $0x1;
	s6 =	sadd.s32 s21, s4  }
0xa3: {  	[timem:s8], [sflag:s22] =	dma.local [hbm:s6], s20  }
0xa4: {  	_ =	swait.ge [sflag:s22], s20  }
0xa5: {  	s5 =	ssub.s32 $0x0, s20;
	[sflag:s22] =	ssyncset.done $0x0  }
0xa6: {  	[sflag:s22] =	ssyncadd.s32 s5;
	_ =	sdelay $0x1  }
0xa7: {  	s23 =	simm.s32 $0x1B8B  }
0xa8: {  	_ =	swait.ge [sflag:s23], $0x1  }
0xa9: {  	[sflag:s23] =	ssyncset.done $0x0  }
0xaa: {  	s25 =	simm.s32 $0x1B8E;
	s24 =	sld [smem:$0x3FFE];
	[sflag:s23] =	ssyncadd.s32 $0xFFFFFFFF  }
0xab: {  	s26 =	simm.s32 $execute0_lowered;
	[smem:$0x3FD2] =	sst s25  }
0xac: {  	s6 =	sshll.u32 s26, $0x1;
	_ =	strace $0x80000046;
	[dreg:$0x1] =	wrdreg $0xFFFFFFFF  }
0xad: {  	s28 =	simm.s32 $_size_execute0_lowered;
	s4 =	sadd.s32 s4, s6;
	[dreg:$0x0] =	wrdreg $0x0  }
0xae: {  	s6 =	sshll.u32 s28, $0x1;
	[dreg:$0x2] =	wrdreg s4  }
0xaf: {  	[dreg:$0x3] =	wrdreg s6  }
0xb0: {  	[dreg:$0x4] =	wrdreg $0xC0  }
0xb1: {  	_ =	task [dreg:s8], $0x5FFFF  }
0xb2: {  	[dreg:$0x1] =	wrdreg $0xFFFFFFFF  }
0xb3: {  	[dreg:$0x0] =	wrdreg $0x60  }
0xb4: {  	[dreg:$0x2] =	wrdreg s15  }
0xb5: {  	[dreg:$0x3] =	wrdreg s24  }
0xb6: {  	[dreg:$0x4] =	wrdreg s16  }
0xb7: {  	[dreg:$0x5] =	wrdreg $0x9  }
0xb8: {  	_ =	task.clear_ibuf [dreg:s8], $0x6FFFF;
	_ =	strace $0x90000046  }
0xb9: {  	s29 =	simm.s32 $0x9;
	_ =	strace $0x80000048  }
0xba: {  	_ =	swait.ge [sflag:s29], $0x1  }
0xbb: {  	[sflag:s29] =	ssyncadd.s32 $0xFFFFFFFF  }
0xbc: {  	_ =	strace $0x90000048  }
0xbd: {  	_ =	sfence  }
0xbe: {  	s30 =	sld [smem:$0x0];
	_ =	sdelay $0x2  }
0xbf: {  	s31 =	sshll.u32 s1, $0xD;
	s1 =	sshrl.u32 s1, $0x2  }
0xc0: {  	s3 =	sand.u32 $0x4000, s31;
	s1 =	sadd.s32 s1, s30  }
0xc1: {  	s0 =	sor.u32 s3, s0;
	s1 =	sshll.u32 s1, $0x11  }
0xc2: {  	s0 =	sor.u32 s1, s0  }
0xc3: {  	s0 =	sadd.s32 $0x8F2B, s0  }
0xc4: {  	[sflag:s0] =	ssyncadd.remote.s32 $0x1  }
0xc5: {  	_ =	sfence.sel $0xFFFF  }
0xc6: {  	[dreg:$0x0] =	wrdreg $0xFFFFFFFF;
	(pc) =	sbr.abs _section_cstart, $3  }
0xc7: {  	[dreg:$0x1] =	wrdreg $0xFFFFFFFF  }
0xc8: {  	_ =	task.clear_ibuf [dreg:s8], $0x2FFFF;
	_ =	strace $0x9FFFFFFF  }
0xc9: {  	(tm) =	ssettm $0x7FFFFFFF  }
tec
execute0_lowered:
.L_overlay_start_1:
0x0: {  	(tag) =	ssettag $0x1  }
0x1: {  	s2 =	rddreg [dreg:$0x0]  }
0x2: {  	s0 =	rddreg [dreg:$0x1]  }
0x3: {  	s1 =	rddreg [dreg:$0x2];
	s3 =	srdreg.scid  }
0x4: {  	s10 =	stileid.u32;
	s28 =	simm.s32 $0x80;
	s30 =	simm.s32 $0x11080  }
0x5: {  	s31 =	simm.s32 $0x11880;
	s4 =	sand.u32 $0x1, s3;
	s3 =	simm.s32 $0x0  }
0x6: {  	s5 =	sshll.u32 s10, $0x4;
	s7 =	sadd.s32 $0x300, s2;
	s8 =	sadd.s32 $0x400, s2  }
0x7: {  	s10 =	sshll.u32 s10, $0x10;
	s11 =	sadd.s32 $0x600, s2;
	s6 =	ssub.s32 $0x2, s4  }
0x8: {  	[smem:$0x7FF] =	sst s3;
	s0 =	sadd.s32 s5, s0;
	s18 =	sshll.u32 s4, $0x6  }
0x9: {  	s5 =	sadd.s32 $0x100, s2;
	s4 =	sshll.u32 s4, $0xF;
	s12 =	sshrl.u32 s6, $0x1  }
0xa: {  	_ =	strace $0x80000047;
	s0 =	sadd.s32 $0xC00, s0;
	[dreg:$0x13] =	wrdreg s18  }
0xb: {  	s13 =	sor.u32 $0x8, s18;
	s14 =	sor.u32 $0x10, s18;
	[dreg:$0x4] =	wrdreg s0  }
0xc: {  	s4 =	sor.u32 s4, s10;
	s15 =	sor.u32 $0x18, s18;
	[dreg:$0x5] =	wrdreg s13  }
0xd: {  	s10 =	sadd.s32 $0x500, s2;
	s17 =	sor.u32 $0x20, s18;
	[dreg:$0x6] =	wrdreg s14  }
0xe: {  	s20 =	sor.u32 $0x28, s18;
	s22 =	sor.u32 $0x30, s18;
	[dreg:$0x7] =	wrdreg s15  }
0xf: {  	s24 =	sor.u32 $0x38, s18;
	s18 =	sadd.s32 $0xD00, s2;
	[dreg:$0x9] =	wrdreg s17  }
0x10: {  	s9 =	ssub.s32 s6, s12;
	s6 =	sadd.s32 $0x200, s2;
	[dreg:$0xb] =	wrdreg s20  }
0x11: {  	s1 =	sadd.s32 s1, s4;
	s12 =	sadd.s32 $0x700, s2;
	[dreg:$0xd] =	wrdreg s22  }
0x12: {  	s13 =	sadd.s32 $0x800, s2;
	s14 =	sadd.s32 $0x900, s2;
	[dreg:$0xf] =	wrdreg s24  }
0x13: {  	s15 =	sadd.s32 $0xA00, s2;
	s16 =	sadd.s32 $0x1000, s1;
	[dreg:$0x14] =	wrdreg s1  }
0x14: {  	s17 =	sadd.s32 $0xC00, s2;
	s19 =	sadd.s32 $0x2000, s1;
	[dreg:$0x8] =	wrdreg s16  }
0x15: {  	s20 =	sadd.s32 $0xF00, s2;
	s21 =	sadd.s32 $0x3000, s1;
	[dreg:$0xa] =	wrdreg s19  }
0x16: {  	s22 =	simm.s32 $0x2;
	s23 =	sadd.s32 $0x4000, s1;
	[dreg:$0xc] =	wrdreg s21  }
0x17: {  	s24 =	simm.s32 $0x5;
	s25 =	sadd.s32 $0x5000, s1;
	[dreg:$0xe] =	wrdreg s23  }
0x18: {  	s26 =	sadd.s32 $0x6000, s1;
	s29 =	sadd.s32 $0x7000, s1;
	[dreg:$0x10] =	wrdreg s25  }
0x19: {  	v0 =	vlaneseq.u32;
	s16 =	sadd.s32 $0xB00, s2;
	s19 =	sadd.s32 $0xE00, s2;
	[dreg:$0x11] =	wrdreg s26  }
0x1a: {  	v1 =	vshrl.u32 v0, $0x3;
	[dreg:$0x12] =	wrdreg s29;
	s21 =	smax.u32 s9, $0x1;
	s23 =	simm.s32 $0x1  }
0x1b: {  	vm0 =	vmmov $0xffff;
	v0 =	vand.u32 $0x7, v0;
	v1 =	vmul.u32 $0x8, v1;
	s9 =	simm.s32 $0x4;
	s2 =	simm.s32 $0x8080;
	s26 =	simm.s32 $0x12880  }
.LBB2_1:
0x1c: {  	s29 =	rddreg [dreg:$0x4];
	s4 =	simm.s32 $0x7  }
0x1d: {  	[tilespmem:s3], [sflag:$0x7] =	stream.linear.gather [hbm4b:s29+s3], $0x80, $0x38;
	[tilespmem:$0x18080] =	vst v63  }
0x1e: {  	_ =	swait.ge [sflag:s4], $0x80  }
0x1f: {  	[sflag:s4] =	ssyncset.done $0x0  }
0x20: {  	s25 =	rddreg [dreg:$0x13];
	[sflag:s4] =	ssyncadd.s32 $0xFFFFFF80  }
0x21: {  	v2 =	vld.msk [tilespmem:s25+$0x0], $0xff;
	_ =	sdelay $0x4  }
0x22: {  	v3 =	vshll.u32 v2, $0x5  }
0x23: {  	v2 =	vand.u32 $0x7, v2;
	v3 =	vand.u32 $0xFFFFFF00, v3  }
0x24: {  	v2 =	vor.u32 v2, v3  }
0x25: {  	v2 =	vperm.xlane v2, v0;
	_ =	sdelay $0x1  }
0x26: {  	v2 =	vadd.s32 v1, v2;
	_ =	sdelay $0x3  }
0x27: {  	s25 =	rddreg [dreg:$0x0]  }
0x28: {  	[tilespmem:s28], [sflag:$0x1] =	stream.indirect_vreg.gather [hbm4b:s25+s3], $0x80, v2, vm0, $0xb8;
	[tilespmem:$0x18080] =	vst v63  }
0x29: {  	s0 =	simm.s32 $0x880  }
0x2a: {  	[tilespmem:s0], [sflag:$0x1] =	stream.indirect_vreg.gather [hbm4b:s5+s3], $0x80, v2, vm0, $0xb8;
	[tilespmem:$0x18080] =	vst v63  }
0x2b: {  	s29 =	simm.s32 $0x1080  }
0x2c: {  	[tilespmem:s29], [sflag:$0x1] =	stream.indirect_vreg.gather [hbm4b:s6+s3], $0x80, v2, vm0, $0xb8;
	[tilespmem:$0x18080] =	vst v63  }
0x2d: {  	s1 =	simm.s32 $0x1880  }
0x2e: {  	[tilespmem:s1], [sflag:$0x1] =	stream.indirect_vreg.gather [hbm4b:s7+s3], $0x80, v2, vm0, $0xb8;
	[tilespmem:$0x18080] =	vst v63  }
0x2f: {  	s29 =	simm.s32 $0x2080  }
0x30: {  	[tilespmem:s29], [sflag:$0x1] =	stream.indirect_vreg.gather [hbm4b:s8+s3], $0x80, v2, vm0, $0xb8;
	[tilespmem:$0x18080] =	vst v63  }
0x31: {  	s1 =	simm.s32 $0x2880  }
0x32: {  	[tilespmem:s1], [sflag:$0x1] =	stream.indirect_vreg.gather [hbm4b:s10+s3], $0x80, v2, vm0, $0xb8;
	[tilespmem:$0x18080] =	vst v63  }
0x33: {  	s29 =	simm.s32 $0x3080  }
0x34: {  	[tilespmem:s29], [sflag:$0x1] =	stream.indirect_vreg.gather [hbm4b:s11+s3], $0x80, v2, vm0, $0xb8;
	[tilespmem:$0x18080] =	vst v63  }
0x35: {  	s1 =	simm.s32 $0x3880  }
0x36: {  	[tilespmem:s1], [sflag:$0x1] =	stream.indirect_vreg.gather [hbm4b:s12+s3], $0x80, v2, vm0, $0xb8;
	[tilespmem:$0x18080] =	vst v63  }
0x37: {  	s29 =	simm.s32 $0x4080  }
0x38: {  	[tilespmem:s29], [sflag:$0x1] =	stream.indirect_vreg.gather [hbm4b:s13+s3], $0x80, v2, vm0, $0xb8;
	[tilespmem:$0x18080] =	vst v63  }
0x39: {  	s1 =	simm.s32 $0x4880  }
0x3a: {  	[tilespmem:s1], [sflag:$0x1] =	stream.indirect_vreg.gather [hbm4b:s14+s3], $0x80, v2, vm0, $0xb8;
	[tilespmem:$0x18080] =	vst v63  }
0x3b: {  	s29 =	simm.s32 $0x5080  }
0x3c: {  	[tilespmem:s29], [sflag:$0x1] =	stream.indirect_vreg.gather [hbm4b:s15+s3], $0x80, v2, vm0, $0xb8;
	[tilespmem:$0x18080] =	vst v63  }
0x3d: {  	s1 =	simm.s32 $0x5880  }
0x3e: {  	[tilespmem:s1], [sflag:$0x1] =	stream.indirect_vreg.gather [hbm4b:s16+s3], $0x80, v2, vm0, $0xb8;
	[tilespmem:$0x18080] =	vst v63  }
0x3f: {  	s29 =	simm.s32 $0x6080  }
0x40: {  	[tilespmem:s29], [sflag:$0x1] =	stream.indirect_vreg.gather [hbm4b:s17+s3], $0x80, v2, vm0, $0xb8;
	[tilespmem:$0x18080] =	vst v63  }
0x41: {  	s1 =	simm.s32 $0x6880  }
0x42: {  	[tilespmem:s1], [sflag:$0x1] =	stream.indirect_vreg.gather [hbm4b:s18+s3], $0x80, v2, vm0, $0xb8;
	[tilespmem:$0x18080] =	vst v63  }
0x43: {  	s29 =	simm.s32 $0x7080  }
0x44: {  	[tilespmem:s29], [sflag:$0x1] =	stream.indirect_vreg.gather [hbm4b:s19+s3], $0x80, v2, vm0, $0xb8;
	[tilespmem:$0x18080] =	vst v63  }
0x45: {  	s1 =	simm.s32 $0x7880;
	s29 =	rddreg [dreg:$0x5]  }
0x46: {  	[tilespmem:s1], [sflag:$0x1] =	stream.indirect_vreg.gather [hbm4b:s20+s3], $0x80, v2, vm0, $0xb8;
	[tilespmem:$0x18080] =	vst v63  }
0x47: {  	v2 =	vld.msk [tilespmem:s29+$0x0], $0xff;
	_ =	sdelay $0x4  }
0x48: {  	v3 =	vshll.u32 v2, $0x5  }
0x49: {  	v2 =	vand.u32 $0x7, v2;
	v3 =	vand.u32 $0xFFFFFF00, v3  }
0x4a: {  	v2 =	vor.u32 v2, v3  }
0x4b: {  	v2 =	vperm.xlane v2, v0;
	_ =	sdelay $0x1  }
0x4c: {  	v2 =	vadd.s32 v1, v2;
	_ =	sdelay $0x4  }
0x4d: {  	[tilespmem:s2], [sflag:$0x2] =	stream.indirect_vreg.gather [hbm4b:s25+s3], $0x80, v2, vm0, $0xb8;
	[tilespmem:$0x18080] =	vst v63  }
0x4e: {  	s29 =	simm.s32 $0x8880  }
0x4f: {  	[tilespmem:s29], [sflag:$0x2] =	stream.indirect_vreg.gather [hbm4b:s5+s3], $0x80, v2, vm0, $0xb8;
	[tilespmem:$0x18080] =	vst v63  }
0x50: {  	s29 =	simm.s32 $0x9080  }
0x51: {  	[tilespmem:s29], [sflag:$0x2] =	stream.indirect_vreg.gather [hbm4b:s6+s3], $0x80, v2, vm0, $0xb8;
	[tilespmem:$0x18080] =	vst v63  }
0x52: {  	s29 =	simm.s32 $0x9880  }
0x53: {  	[tilespmem:s29], [sflag:$0x2] =	stream.indirect_vreg.gather [hbm4b:s7+s3], $0x80, v2, vm0, $0xb8;
	[tilespmem:$0x18080] =	vst v63  }
0x54: {  	s29 =	simm.s32 $0xA080  }
0x55: {  	[tilespmem:s29], [sflag:$0x2] =	stream.indirect_vreg.gather [hbm4b:s8+s3], $0x80, v2, vm0, $0xb8;
	[tilespmem:$0x18080] =	vst v63  }
0x56: {  	s29 =	simm.s32 $0xA880  }
0x57: {  	[tilespmem:s29], [sflag:$0x2] =	stream.indirect_vreg.gather [hbm4b:s10+s3], $0x80, v2, vm0, $0xb8;
	[tilespmem:$0x18080] =	vst v63  }
0x58: {  	s29 =	simm.s32 $0xB080  }
0x59: {  	[tilespmem:s29], [sflag:$0x2] =	stream.indirect_vreg.gather [hbm4b:s11+s3], $0x80, v2, vm0, $0xb8;
	[tilespmem:$0x18080] =	vst v63  }
0x5a: {  	s29 =	simm.s32 $0xB880  }
0x5b: {  	[tilespmem:s29], [sflag:$0x2] =	stream.indirect_vreg.gather [hbm4b:s12+s3], $0x80, v2, vm0, $0xb8;
	[tilespmem:$0x18080] =	vst v63  }
0x5c: {  	s29 =	simm.s32 $0xC080  }
0x5d: {  	[tilespmem:s29], [sflag:$0x2] =	stream.indirect_vreg.gather [hbm4b:s13+s3], $0x80, v2, vm0, $0xb8;
	[tilespmem:$0x18080] =	vst v63  }
0x5e: {  	s29 =	simm.s32 $0xC880  }
0x5f: {  	[tilespmem:s29], [sflag:$0x2] =	stream.indirect_vreg.gather [hbm4b:s14+s3], $0x80, v2, vm0, $0xb8;
	[tilespmem:$0x18080] =	vst v63  }
0x60: {  	s29 =	simm.s32 $0xD080  }
0x61: {  	[tilespmem:s29], [sflag:$0x2] =	stream.indirect_vreg.gather [hbm4b:s15+s3], $0x80, v2, vm0, $0xb8;
	[tilespmem:$0x18080] =	vst v63  }
0x62: {  	s29 =	simm.s32 $0xD880  }
0x63: {  	[tilespmem:s29], [sflag:$0x2] =	stream.indirect_vreg.gather [hbm4b:s16+s3], $0x80, v2, vm0, $0xb8;
	[tilespmem:$0x18080] =	vst v63  }
0x64: {  	s29 =	simm.s32 $0xE080  }
0x65: {  	[tilespmem:s29], [sflag:$0x2] =	stream.indirect_vreg.gather [hbm4b:s17+s3], $0x80, v2, vm0, $0xb8;
	[tilespmem:$0x18080] =	vst v63  }
0x66: {  	s29 =	simm.s32 $0xE880  }
0x67: {  	[tilespmem:s29], [sflag:$0x2] =	stream.indirect_vreg.gather [hbm4b:s18+s3], $0x80, v2, vm0, $0xb8;
	[tilespmem:$0x18080] =	vst v63  }
0x68: {  	s29 =	simm.s32 $0xF080  }
0x69: {  	[tilespmem:s29], [sflag:$0x2] =	stream.indirect_vreg.gather [hbm4b:s19+s3], $0x80, v2, vm0, $0xb8;
	[tilespmem:$0x18080] =	vst v63  }
0x6a: {  	s0 =	simm.s32 $0xF880;
	s29 =	rddreg [dreg:$0x6]  }
0x6b: {  	[tilespmem:s0], [sflag:$0x2] =	stream.indirect_vreg.gather [hbm4b:s20+s3], $0x80, v2, vm0, $0xb8;
	[tilespmem:$0x18080] =	vst v63  }
0x6c: {  	v2 =	vld.msk [tilespmem:s29+$0x0], $0xff;
	_ =	sdelay $0x4  }
0x6d: {  	v3 =	vshll.u32 v2, $0x5  }
0x6e: {  	v2 =	vand.u32 $0x7, v2;
	v3 =	vand.u32 $0xFFFFFF00, v3  }
0x6f: {  	v2 =	vor.u32 v2, v3  }
0x70: {  	v2 =	vperm.xlane v2, v0;
	_ =	sdelay $0x1  }
0x71: {  	v2 =	vadd.s32 v1, v2;
	_ =	sdelay $0x3  }
0x72: {  	s29 =	simm.s32 $0x10080  }
0x73: {  	[tilespmem:s29], [sflag:$0x3] =	stream.indirect_vreg.gather [hbm4b:s25+s3], $0x80, v2, vm0, $0xb8;
	[tilespmem:$0x18080] =	vst v63  }
0x74: {  	s29 =	simm.s32 $0x10880  }
0x75: {  	[tilespmem:s29], [sflag:$0x3] =	stream.indirect_vreg.gather [hbm4b:s5+s3], $0x80, v2, vm0, $0xb8;
	[tilespmem:$0x18080] =	vst v63  }
0x76: {  	_ = 	snop  }
0x77: {  	[tilespmem:s30], [sflag:$0x3] =	stream.indirect_vreg.gather [hbm4b:s6+s3], $0x80, v2, vm0, $0xb8;
	[tilespmem:$0x18080] =	vst v63  }
0x78: {  	_ = 	snop  }
0x79: {  	[tilespmem:s31], [sflag:$0x3] =	stream.indirect_vreg.gather [hbm4b:s7+s3], $0x80, v2, vm0, $0xb8;
	[tilespmem:$0x18080] =	vst v63  }
0x7a: {  	s29 =	simm.s32 $0x12080  }
0x7b: {  	[tilespmem:s29], [sflag:$0x3] =	stream.indirect_vreg.gather [hbm4b:s8+s3], $0x80, v2, vm0, $0xb8;
	[tilespmem:$0x18080] =	vst v63  }
0x7c: {  	_ = 	snop  }
0x7d: {  	[tilespmem:s26], [sflag:$0x3] =	stream.indirect_vreg.gather [hbm4b:s10+s3], $0x80, v2, vm0, $0xb8;
	[tilespmem:$0x18080] =	vst v63  }
0x7e: {  	s29 =	simm.s32 $0x13080  }
0x7f: {  	[tilespmem:s29], [sflag:$0x3] =	stream.indirect_vreg.gather [hbm4b:s11+s3], $0x80, v2, vm0, $0xb8;
	[tilespmem:$0x18080] =	vst v63  }
0x80: {  	s29 =	simm.s32 $0x13880  }
0x81: {  	[tilespmem:s29], [sflag:$0x3] =	stream.indirect_vreg.gather [hbm4b:s12+s3], $0x80, v2, vm0, $0xb8;
	[tilespmem:$0x18080] =	vst v63  }
0x82: {  	s29 =	simm.s32 $0x14080  }
0x83: {  	[tilespmem:s29], [sflag:$0x3] =	stream.indirect_vreg.gather [hbm4b:s13+s3], $0x80, v2, vm0, $0xb8;
	[tilespmem:$0x18080] =	vst v63  }
0x84: {  	s29 =	simm.s32 $0x14880  }
0x85: {  	[tilespmem:s29], [sflag:$0x3] =	stream.indirect_vreg.gather [hbm4b:s14+s3], $0x80, v2, vm0, $0xb8;
	[tilespmem:$0x18080] =	vst v63  }
0x86: {  	s29 =	simm.s32 $0x15080  }
0x87: {  	[tilespmem:s29], [sflag:$0x3] =	stream.indirect_vreg.gather [hbm4b:s15+s3], $0x80, v2, vm0, $0xb8;
	[tilespmem:$0x18080] =	vst v63  }
0x88: {  	s29 =	simm.s32 $0x15880  }
0x89: {  	[tilespmem:s29], [sflag:$0x3] =	stream.indirect_vreg.gather [hbm4b:s16+s3], $0x80, v2, vm0, $0xb8;
	[tilespmem:$0x18080] =	vst v63  }
0x8a: {  	s29 =	simm.s32 $0x16080  }
0x8b: {  	[tilespmem:s29], [sflag:$0x3] =	stream.indirect_vreg.gather [hbm4b:s17+s3], $0x80, v2, vm0, $0xb8;
	[tilespmem:$0x18080] =	vst v63  }
0x8c: {  	s29 =	simm.s32 $0x16880  }
0x8d: {  	[tilespmem:s29], [sflag:$0x3] =	stream.indirect_vreg.gather [hbm4b:s18+s3], $0x80, v2, vm0, $0xb8;
	[tilespmem:$0x18080] =	vst v63  }
0x8e: {  	s29 =	simm.s32 $0x17080  }
0x8f: {  	[tilespmem:s29], [sflag:$0x3] =	stream.indirect_vreg.gather [hbm4b:s19+s3], $0x80, v2, vm0, $0xb8;
	[tilespmem:$0x18080] =	vst v63  }
0x90: {  	s29 =	simm.s32 $0x17880  }
0x91: {  	[tilespmem:s29], [sflag:$0x3] =	stream.indirect_vreg.gather [hbm4b:s20+s3], $0x80, v2, vm0, $0xb8;
	[tilespmem:$0x18080] =	vst v63  }
0x92: {  	_ =	swait.ge [sflag:s23], $0x8000  }
0x93: {  	[sflag:s23] =	ssyncset.done $0x0  }
0x94: {  	s0 =	rddreg [dreg:$0x14];
	[sflag:s23] =	ssyncadd.s32 $0xFFFF8000  }
0x95: {  	[hbm4b:s0+s3] =	stream.linear.scatter [tilespmem:s28], [sflag:$0x4], $0x8000, $0x38;
	[tilespmem:$0x18080] =	vst v63  }
0x96: {  	_ =	swait.ge [sflag:s9], $0x8000  }
0x97: {  	[sflag:s9] =	ssyncset.done $0x0  }
0x98: {  	s0 =	rddreg [dreg:$0x7];
	[sflag:s9] =	ssyncadd.s32 $0xFFFF8000  }
0x99: {  	v2 =	vld.msk [tilespmem:s0+$0x0], $0xff;
	_ =	sdelay $0x4  }
0x9a: {  	v3 =	vshll.u32 v2, $0x5  }
0x9b: {  	v2 =	vand.u32 $0x7, v2;
	v3 =	vand.u32 $0xFFFFFF00, v3  }
0x9c: {  	v2 =	vor.u32 v2, v3  }
0x9d: {  	v2 =	vperm.xlane v2, v0;
	_ =	sdelay $0x1  }
0x9e: {  	v2 =	vadd.s32 v1, v2;
	_ =	sdelay $0x4  }
0x9f: {  	[tilespmem:s28], [sflag:$0x1] =	stream.indirect_vreg.gather [hbm4b:s25+s3], $0x80, v2, vm0, $0xb8;
	[tilespmem:$0x18080] =	vst v63  }
0xa0: {  	s4 =	simm.s32 $0x880  }
0xa1: {  	[tilespmem:s4], [sflag:$0x1] =	stream.indirect_vreg.gather [hbm4b:s5+s3], $0x80, v2, vm0, $0xb8;
	[tilespmem:$0x18080] =	vst v63  }
0xa2: {  	s29 =	simm.s32 $0x1080  }
0xa3: {  	[tilespmem:s29], [sflag:$0x1] =	stream.indirect_vreg.gather [hbm4b:s6+s3], $0x80, v2, vm0, $0xb8;
	[tilespmem:$0x18080] =	vst v63  }
0xa4: {  	s4 =	simm.s32 $0x1880  }
0xa5: {  	[tilespmem:s4], [sflag:$0x1] =	stream.indirect_vreg.gather [hbm4b:s7+s3], $0x80, v2, vm0, $0xb8;
	[tilespmem:$0x18080] =	vst v63  }
0xa6: {  	s29 =	simm.s32 $0x2080  }
0xa7: {  	[tilespmem:s29], [sflag:$0x1] =	stream.indirect_vreg.gather [hbm4b:s8+s3], $0x80, v2, vm0, $0xb8;
	[tilespmem:$0x18080] =	vst v63  }
0xa8: {  	s4 =	simm.s32 $0x2880  }
0xa9: {  	[tilespmem:s4], [sflag:$0x1] =	stream.indirect_vreg.gather [hbm4b:s10+s3], $0x80, v2, vm0, $0xb8;
	[tilespmem:$0x18080] =	vst v63  }
0xaa: {  	s29 =	simm.s32 $0x3080  }
0xab: {  	[tilespmem:s29], [sflag:$0x1] =	stream.indirect_vreg.gather [hbm4b:s11+s3], $0x80, v2, vm0, $0xb8;
	[tilespmem:$0x18080] =	vst v63  }
0xac: {  	s4 =	simm.s32 $0x3880  }
0xad: {  	[tilespmem:s4], [sflag:$0x1] =	stream.indirect_vreg.gather [hbm4b:s12+s3], $0x80, v2, vm0, $0xb8;
	[tilespmem:$0x18080] =	vst v63  }
0xae: {  	s29 =	simm.s32 $0x4080  }
0xaf: {  	[tilespmem:s29], [sflag:$0x1] =	stream.indirect_vreg.gather [hbm4b:s13+s3], $0x80, v2, vm0, $0xb8;
	[tilespmem:$0x18080] =	vst v63  }
0xb0: {  	s4 =	simm.s32 $0x4880  }
0xb1: {  	[tilespmem:s4], [sflag:$0x1] =	stream.indirect_vreg.gather [hbm4b:s14+s3], $0x80, v2, vm0, $0xb8;
	[tilespmem:$0x18080] =	vst v63  }
0xb2: {  	s29 =	simm.s32 $0x5080  }
0xb3: {  	[tilespmem:s29], [sflag:$0x1] =	stream.indirect_vreg.gather [hbm4b:s15+s3], $0x80, v2, vm0, $0xb8;
	[tilespmem:$0x18080] =	vst v63  }
0xb4: {  	s4 =	simm.s32 $0x5880  }
0xb5: {  	[tilespmem:s4], [sflag:$0x1] =	stream.indirect_vreg.gather [hbm4b:s16+s3], $0x80, v2, vm0, $0xb8;
	[tilespmem:$0x18080] =	vst v63  }
0xb6: {  	s29 =	simm.s32 $0x6080  }
0xb7: {  	[tilespmem:s29], [sflag:$0x1] =	stream.indirect_vreg.gather [hbm4b:s17+s3], $0x80, v2, vm0, $0xb8;
	[tilespmem:$0x18080] =	vst v63  }
0xb8: {  	s4 =	simm.s32 $0x6880  }
0xb9: {  	[tilespmem:s4], [sflag:$0x1] =	stream.indirect_vreg.gather [hbm4b:s18+s3], $0x80, v2, vm0, $0xb8;
	[tilespmem:$0x18080] =	vst v63  }
0xba: {  	s29 =	simm.s32 $0x7080  }
0xbb: {  	[tilespmem:s29], [sflag:$0x1] =	stream.indirect_vreg.gather [hbm4b:s19+s3], $0x80, v2, vm0, $0xb8;
	[tilespmem:$0x18080] =	vst v63  }
0xbc: {  	s1 =	simm.s32 $0x7880  }
0xbd: {  	[tilespmem:s1], [sflag:$0x1] =	stream.indirect_vreg.gather [hbm4b:s20+s3], $0x80, v2, vm0, $0xb8;
	[tilespmem:$0x18080] =	vst v63  }
0xbe: {  	_ =	swait.ge [sflag:s22], $0x8000  }
0xbf: {  	[sflag:s22] =	ssyncset.done $0x0  }
0xc0: {  	s4 =	rddreg [dreg:$0x8];
	[sflag:s22] =	ssyncadd.s32 $0xFFFF8000  }
0xc1: {  	[hbm4b:s4+s3] =	stream.linear.scatter [tilespmem:s2], [sflag:$0x5], $0x8000, $0x38;
	[tilespmem:$0x18080] =	vst v63  }
0xc2: {  	_ =	swait.ge [sflag:s24], $0x8000  }
0xc3: {  	[sflag:s24] =	ssyncset.done $0x0  }
0xc4: {  	s0 =	rddreg [dreg:$0x9];
	[sflag:s24] =	ssyncadd.s32 $0xFFFF8000  }
0xc5: {  	v2 =	vld.msk [tilespmem:s0+$0x0], $0xff;
	_ =	sdelay $0x4  }
0xc6: {  	v3 =	vshll.u32 v2, $0x5  }
0xc7: {  	v2 =	vand.u32 $0x7, v2;
	v3 =	vand.u32 $0xFFFFFF00, v3  }
0xc8: {  	v2 =	vor.u32 v2, v3  }
0xc9: {  	v2 =	vperm.xlane v2, v0;
	_ =	sdelay $0x1  }
0xca: {  	v2 =	vadd.s32 v1, v2;
	_ =	sdelay $0x4  }
0xcb: {  	[tilespmem:s2], [sflag:$0x2] =	stream.indirect_vreg.gather [hbm4b:s25+s3], $0x80, v2, vm0, $0xb8;
	[tilespmem:$0x18080] =	vst v63  }
0xcc: {  	s1 =	simm.s32 $0x8880  }
0xcd: {  	[tilespmem:s1], [sflag:$0x2] =	stream.indirect_vreg.gather [hbm4b:s5+s3], $0x80, v2, vm0, $0xb8;
	[tilespmem:$0x18080] =	vst v63  }
0xce: {  	s4 =	simm.s32 $0x9080  }
0xcf: {  	[tilespmem:s4], [sflag:$0x2] =	stream.indirect_vreg.gather [hbm4b:s6+s3], $0x80, v2, vm0, $0xb8;
	[tilespmem:$0x18080] =	vst v63  }
0xd0: {  	s29 =	simm.s32 $0x9880  }
0xd1: {  	[tilespmem:s29], [sflag:$0x2] =	stream.indirect_vreg.gather [hbm4b:s7+s3], $0x80, v2, vm0, $0xb8;
	[tilespmem:$0x18080] =	vst v63  }
0xd2: {  	s1 =	simm.s32 $0xA080  }
0xd3: {  	[tilespmem:s1], [sflag:$0x2] =	stream.indirect_vreg.gather [hbm4b:s8+s3], $0x80, v2, vm0, $0xb8;
	[tilespmem:$0x18080] =	vst v63  }
0xd4: {  	s4 =	simm.s32 $0xA880  }
0xd5: {  	[tilespmem:s4], [sflag:$0x2] =	stream.indirect_vreg.gather [hbm4b:s10+s3], $0x80, v2, vm0, $0xb8;
	[tilespmem:$0x18080] =	vst v63  }
0xd6: {  	s29 =	simm.s32 $0xB080  }
0xd7: {  	[tilespmem:s29], [sflag:$0x2] =	stream.indirect_vreg.gather [hbm4b:s11+s3], $0x80, v2, vm0, $0xb8;
	[tilespmem:$0x18080] =	vst v63  }
0xd8: {  	s1 =	simm.s32 $0xB880  }
0xd9: {  	[tilespmem:s1], [sflag:$0x2] =	stream.indirect_vreg.gather [hbm4b:s12+s3], $0x80, v2, vm0, $0xb8;
	[tilespmem:$0x18080] =	vst v63  }
0xda: {  	s4 =	simm.s32 $0xC080  }
0xdb: {  	[tilespmem:s4], [sflag:$0x2] =	stream.indirect_vreg.gather [hbm4b:s13+s3], $0x80, v2, vm0, $0xb8;
	[tilespmem:$0x18080] =	vst v63  }
0xdc: {  	s29 =	simm.s32 $0xC880  }
0xdd: {  	[tilespmem:s29], [sflag:$0x2] =	stream.indirect_vreg.gather [hbm4b:s14+s3], $0x80, v2, vm0, $0xb8;
	[tilespmem:$0x18080] =	vst v63  }
0xde: {  	s1 =	simm.s32 $0xD080  }
0xdf: {  	[tilespmem:s1], [sflag:$0x2] =	stream.indirect_vreg.gather [hbm4b:s15+s3], $0x80, v2, vm0, $0xb8;
	[tilespmem:$0x18080] =	vst v63  }
0xe0: {  	s4 =	simm.s32 $0xD880  }
0xe1: {  	[tilespmem:s4], [sflag:$0x2] =	stream.indirect_vreg.gather [hbm4b:s16+s3], $0x80, v2, vm0, $0xb8;
	[tilespmem:$0x18080] =	vst v63  }
0xe2: {  	s29 =	simm.s32 $0xE080  }
0xe3: {  	[tilespmem:s29], [sflag:$0x2] =	stream.indirect_vreg.gather [hbm4b:s17+s3], $0x80, v2, vm0, $0xb8;
	[tilespmem:$0x18080] =	vst v63  }
0xe4: {  	s1 =	simm.s32 $0xE880  }
0xe5: {  	[tilespmem:s1], [sflag:$0x2] =	stream.indirect_vreg.gather [hbm4b:s18+s3], $0x80, v2, vm0, $0xb8;
	[tilespmem:$0x18080] =	vst v63  }
0xe6: {  	s4 =	simm.s32 $0xF080  }
0xe7: {  	[tilespmem:s4], [sflag:$0x2] =	stream.indirect_vreg.gather [hbm4b:s19+s3], $0x80, v2, vm0, $0xb8;
	[tilespmem:$0x18080] =	vst v63  }
0xe8: {  	s0 =	simm.s32 $0x3;
	s29 =	simm.s32 $0xF880  }
0xe9: {  	[tilespmem:s29], [sflag:$0x2] =	stream.indirect_vreg.gather [hbm4b:s20+s3], $0x80, v2, vm0, $0xb8;
	[tilespmem:$0x18080] =	vst v63  }
0xea: {  	_ =	swait.ge [sflag:s0], $0x8000  }
0xeb: {  	[sflag:s0] =	ssyncset.done $0x0  }
0xec: {  	s4 =	simm.s32 $0x10080;
	s1 =	rddreg [dreg:$0xa];
	[sflag:s0] =	ssyncadd.s32 $0xFFFF8000  }
0xed: {  	[hbm4b:s1+s3] =	stream.linear.scatter [tilespmem:s4], [sflag:$0x6], $0x8000, $0x38;
	[tilespmem:$0x18080] =	vst v63  }
0xee: {  	s1 =	simm.s32 $0x6  }
0xef: {  	_ =	swait.ge [sflag:s1], $0x8000  }
0xf0: {  	[sflag:s1] =	ssyncset.done $0x0  }
0xf1: {  	s29 =	rddreg [dreg:$0xb];
	[sflag:s1] =	ssyncadd.s32 $0xFFFF8000  }
0xf2: {  	v2 =	vld.msk [tilespmem:s29+$0x0], $0xff;
	_ =	sdelay $0x4  }
0xf3: {  	v3 =	vshll.u32 v2, $0x5  }
0xf4: {  	v2 =	vand.u32 $0x7, v2;
	v3 =	vand.u32 $0xFFFFFF00, v3  }
0xf5: {  	v2 =	vor.u32 v2, v3  }
0xf6: {  	v2 =	vperm.xlane v2, v0;
	_ =	sdelay $0x1  }
0xf7: {  	v2 =	vadd.s32 v1, v2;
	_ =	sdelay $0x4  }
0xf8: {  	[tilespmem:s4], [sflag:$0x3] =	stream.indirect_vreg.gather [hbm4b:s25+s3], $0x80, v2, vm0, $0xb8;
	[tilespmem:$0x18080] =	vst v63  }
0xf9: {  	s29 =	simm.s32 $0x10880  }
0xfa: {  	[tilespmem:s29], [sflag:$0x3] =	stream.indirect_vreg.gather [hbm4b:s5+s3], $0x80, v2, vm0, $0xb8;
	[tilespmem:$0x18080] =	vst v63  }
0xfb: {  	_ = 	snop  }
0xfc: {  	[tilespmem:s30], [sflag:$0x3] =	stream.indirect_vreg.gather [hbm4b:s6+s3], $0x80, v2, vm0, $0xb8;
	[tilespmem:$0x18080] =	vst v63  }
0xfd: {  	_ = 	snop  }
0xfe: {  	[tilespmem:s31], [sflag:$0x3] =	stream.indirect_vreg.gather [hbm4b:s7+s3], $0x80, v2, vm0, $0xb8;
	[tilespmem:$0x18080] =	vst v63  }
0xff: {  	s29 =	simm.s32 $0x12080  }
0x100: {  	[tilespmem:s29], [sflag:$0x3] =	stream.indirect_vreg.gather [hbm4b:s8+s3], $0x80, v2, vm0, $0xb8;
	[tilespmem:$0x18080] =	vst v63  }
0x101: {  	_ = 	snop  }
0x102: {  	[tilespmem:s26], [sflag:$0x3] =	stream.indirect_vreg.gather [hbm4b:s10+s3], $0x80, v2, vm0, $0xb8;
	[tilespmem:$0x18080] =	vst v63  }
0x103: {  	s29 =	simm.s32 $0x13080  }
0x104: {  	[tilespmem:s29], [sflag:$0x3] =	stream.indirect_vreg.gather [hbm4b:s11+s3], $0x80, v2, vm0, $0xb8;
	[tilespmem:$0x18080] =	vst v63  }
0x105: {  	s29 =	simm.s32 $0x13880  }
0x106: {  	[tilespmem:s29], [sflag:$0x3] =	stream.indirect_vreg.gather [hbm4b:s12+s3], $0x80, v2, vm0, $0xb8;
	[tilespmem:$0x18080] =	vst v63  }
0x107: {  	s29 =	simm.s32 $0x14080  }
0x108: {  	[tilespmem:s29], [sflag:$0x3] =	stream.indirect_vreg.gather [hbm4b:s13+s3], $0x80, v2, vm0, $0xb8;
	[tilespmem:$0x18080] =	vst v63  }
0x109: {  	s29 =	simm.s32 $0x14880  }
0x10a: {  	[tilespmem:s29], [sflag:$0x3] =	stream.indirect_vreg.gather [hbm4b:s14+s3], $0x80, v2, vm0, $0xb8;
	[tilespmem:$0x18080] =	vst v63  }
0x10b: {  	s29 =	simm.s32 $0x15080  }
0x10c: {  	[tilespmem:s29], [sflag:$0x3] =	stream.indirect_vreg.gather [hbm4b:s15+s3], $0x80, v2, vm0, $0xb8;
	[tilespmem:$0x18080] =	vst v63  }
0x10d: {  	s29 =	simm.s32 $0x15880  }
0x10e: {  	[tilespmem:s29], [sflag:$0x3] =	stream.indirect_vreg.gather [hbm4b:s16+s3], $0x80, v2, vm0, $0xb8;
	[tilespmem:$0x18080] =	vst v63  }
0x10f: {  	s29 =	simm.s32 $0x16080  }
0x110: {  	[tilespmem:s29], [sflag:$0x3] =	stream.indirect_vreg.gather [hbm4b:s17+s3], $0x80, v2, vm0, $0xb8;
	[tilespmem:$0x18080] =	vst v63  }
0x111: {  	s29 =	simm.s32 $0x16880  }
0x112: {  	[tilespmem:s29], [sflag:$0x3] =	stream.indirect_vreg.gather [hbm4b:s18+s3], $0x80, v2, vm0, $0xb8;
	[tilespmem:$0x18080] =	vst v63  }
0x113: {  	s29 =	simm.s32 $0x17080  }
0x114: {  	[tilespmem:s29], [sflag:$0x3] =	stream.indirect_vreg.gather [hbm4b:s19+s3], $0x80, v2, vm0, $0xb8;
	[tilespmem:$0x18080] =	vst v63  }
0x115: {  	s29 =	simm.s32 $0x17880  }
0x116: {  	[tilespmem:s29], [sflag:$0x3] =	stream.indirect_vreg.gather [hbm4b:s20+s3], $0x80, v2, vm0, $0xb8;
	[tilespmem:$0x18080] =	vst v63  }
0x117: {  	_ =	swait.ge [sflag:s23], $0x8000  }
0x118: {  	[sflag:s23] =	ssyncset.done $0x0  }
0x119: {  	s4 =	rddreg [dreg:$0xc];
	[sflag:s23] =	ssyncadd.s32 $0xFFFF8000  }
0x11a: {  	[hbm4b:s4+s3] =	stream.linear.scatter [tilespmem:s28], [sflag:$0x4], $0x8000, $0x38;
	[tilespmem:$0x18080] =	vst v63  }
0x11b: {  	_ =	swait.ge [sflag:s9], $0x8000  }
0x11c: {  	[sflag:s9] =	ssyncset.done $0x0  }
0x11d: {  	s4 =	rddreg [dreg:$0xd];
	[sflag:s9] =	ssyncadd.s32 $0xFFFF8000  }
0x11e: {  	v2 =	vld.msk [tilespmem:s4+$0x0], $0xff;
	_ =	sdelay $0x4  }
0x11f: {  	v3 =	vshll.u32 v2, $0x5  }
0x120: {  	v2 =	vand.u32 $0x7, v2;
	v3 =	vand.u32 $0xFFFFFF00, v3  }
0x121: {  	v2 =	vor.u32 v2, v3  }
0x122: {  	v2 =	vperm.xlane v2, v0;
	_ =	sdelay $0x1  }
0x123: {  	v2 =	vadd.s32 v1, v2;
	_ =	sdelay $0x4  }
0x124: {  	[tilespmem:s28], [sflag:$0x1] =	stream.indirect_vreg.gather [hbm4b:s25+s3], $0x80, v2, vm0, $0xb8;
	[tilespmem:$0x18080] =	vst v63  }
0x125: {  	s29 =	simm.s32 $0x880  }
0x126: {  	[tilespmem:s29], [sflag:$0x1] =	stream.indirect_vreg.gather [hbm4b:s5+s3], $0x80, v2, vm0, $0xb8;
	[tilespmem:$0x18080] =	vst v63  }
0x127: {  	s29 =	simm.s32 $0x1080  }
0x128: {  	[tilespmem:s29], [sflag:$0x1] =	stream.indirect_vreg.gather [hbm4b:s6+s3], $0x80, v2, vm0, $0xb8;
	[tilespmem:$0x18080] =	vst v63  }
0x129: {  	s29 =	simm.s32 $0x1880  }
0x12a: {  	[tilespmem:s29], [sflag:$0x1] =	stream.indirect_vreg.gather [hbm4b:s7+s3], $0x80, v2, vm0, $0xb8;
	[tilespmem:$0x18080] =	vst v63  }
0x12b: {  	s29 =	simm.s32 $0x2080  }
0x12c: {  	[tilespmem:s29], [sflag:$0x1] =	stream.indirect_vreg.gather [hbm4b:s8+s3], $0x80, v2, vm0, $0xb8;
	[tilespmem:$0x18080] =	vst v63  }
0x12d: {  	s29 =	simm.s32 $0x2880  }
0x12e: {  	[tilespmem:s29], [sflag:$0x1] =	stream.indirect_vreg.gather [hbm4b:s10+s3], $0x80, v2, vm0, $0xb8;
	[tilespmem:$0x18080] =	vst v63  }
0x12f: {  	s29 =	simm.s32 $0x3080  }
0x130: {  	[tilespmem:s29], [sflag:$0x1] =	stream.indirect_vreg.gather [hbm4b:s11+s3], $0x80, v2, vm0, $0xb8;
	[tilespmem:$0x18080] =	vst v63  }
0x131: {  	s29 =	simm.s32 $0x3880  }
0x132: {  	[tilespmem:s29], [sflag:$0x1] =	stream.indirect_vreg.gather [hbm4b:s12+s3], $0x80, v2, vm0, $0xb8;
	[tilespmem:$0x18080] =	vst v63  }
0x133: {  	s29 =	simm.s32 $0x4080  }
0x134: {  	[tilespmem:s29], [sflag:$0x1] =	stream.indirect_vreg.gather [hbm4b:s13+s3], $0x80, v2, vm0, $0xb8;
	[tilespmem:$0x18080] =	vst v63  }
0x135: {  	s29 =	simm.s32 $0x4880  }
0x136: {  	[tilespmem:s29], [sflag:$0x1] =	stream.indirect_vreg.gather [hbm4b:s14+s3], $0x80, v2, vm0, $0xb8;
	[tilespmem:$0x18080] =	vst v63  }
0x137: {  	s29 =	simm.s32 $0x5080  }
0x138: {  	[tilespmem:s29], [sflag:$0x1] =	stream.indirect_vreg.gather [hbm4b:s15+s3], $0x80, v2, vm0, $0xb8;
	[tilespmem:$0x18080] =	vst v63  }
0x139: {  	s29 =	simm.s32 $0x5880  }
0x13a: {  	[tilespmem:s29], [sflag:$0x1] =	stream.indirect_vreg.gather [hbm4b:s16+s3], $0x80, v2, vm0, $0xb8;
	[tilespmem:$0x18080] =	vst v63  }
0x13b: {  	s29 =	simm.s32 $0x6080  }
0x13c: {  	[tilespmem:s29], [sflag:$0x1] =	stream.indirect_vreg.gather [hbm4b:s17+s3], $0x80, v2, vm0, $0xb8;
	[tilespmem:$0x18080] =	vst v63  }
0x13d: {  	s29 =	simm.s32 $0x6880  }
0x13e: {  	[tilespmem:s29], [sflag:$0x1] =	stream.indirect_vreg.gather [hbm4b:s18+s3], $0x80, v2, vm0, $0xb8;
	[tilespmem:$0x18080] =	vst v63  }
0x13f: {  	s29 =	simm.s32 $0x7080  }
0x140: {  	[tilespmem:s29], [sflag:$0x1] =	stream.indirect_vreg.gather [hbm4b:s19+s3], $0x80, v2, vm0, $0xb8;
	[tilespmem:$0x18080] =	vst v63  }
0x141: {  	s29 =	simm.s32 $0x7880  }
0x142: {  	[tilespmem:s29], [sflag:$0x1] =	stream.indirect_vreg.gather [hbm4b:s20+s3], $0x80, v2, vm0, $0xb8;
	[tilespmem:$0x18080] =	vst v63  }
0x143: {  	_ =	swait.ge [sflag:s22], $0x8000  }
0x144: {  	[sflag:s22] =	ssyncset.done $0x0  }
0x145: {  	s4 =	rddreg [dreg:$0xe];
	[sflag:s22] =	ssyncadd.s32 $0xFFFF8000  }
0x146: {  	[hbm4b:s4+s3] =	stream.linear.scatter [tilespmem:s2], [sflag:$0x5], $0x8000, $0x38;
	[tilespmem:$0x18080] =	vst v63  }
0x147: {  	_ =	swait.ge [sflag:s24], $0x8000  }
0x148: {  	[sflag:s24] =	ssyncset.done $0x0  }
0x149: {  	s4 =	rddreg [dreg:$0xf];
	[sflag:s24] =	ssyncadd.s32 $0xFFFF8000  }
0x14a: {  	v2 =	vld.msk [tilespmem:s4+$0x0], $0xff;
	_ =	sdelay $0x4  }
0x14b: {  	v3 =	vshll.u32 v2, $0x5  }
0x14c: {  	v2 =	vand.u32 $0x7, v2;
	v3 =	vand.u32 $0xFFFFFF00, v3  }
0x14d: {  	v2 =	vor.u32 v2, v3  }
0x14e: {  	v2 =	vperm.xlane v2, v0;
	_ =	sdelay $0x1  }
0x14f: {  	v2 =	vadd.s32 v1, v2;
	_ =	sdelay $0x4  }
0x150: {  	[tilespmem:s2], [sflag:$0x2] =	stream.indirect_vreg.gather [hbm4b:s25+s3], $0x80, v2, vm0, $0xb8;
	[tilespmem:$0x18080] =	vst v63  }
0x151: {  	s29 =	simm.s32 $0x8880  }
0x152: {  	[tilespmem:s29], [sflag:$0x2] =	stream.indirect_vreg.gather [hbm4b:s5+s3], $0x80, v2, vm0, $0xb8;
	[tilespmem:$0x18080] =	vst v63  }
0x153: {  	s25 =	simm.s32 $0x9080  }
0x154: {  	[tilespmem:s25], [sflag:$0x2] =	stream.indirect_vreg.gather [hbm4b:s6+s3], $0x80, v2, vm0, $0xb8;
	[tilespmem:$0x18080] =	vst v63  }
0x155: {  	s29 =	simm.s32 $0x9880  }
0x156: {  	[tilespmem:s29], [sflag:$0x2] =	stream.indirect_vreg.gather [hbm4b:s7+s3], $0x80, v2, vm0, $0xb8;
	[tilespmem:$0x18080] =	vst v63  }
0x157: {  	s25 =	simm.s32 $0xA080  }
0x158: {  	[tilespmem:s25], [sflag:$0x2] =	stream.indirect_vreg.gather [hbm4b:s8+s3], $0x80, v2, vm0, $0xb8;
	[tilespmem:$0x18080] =	vst v63  }
0x159: {  	s29 =	simm.s32 $0xA880  }
0x15a: {  	[tilespmem:s29], [sflag:$0x2] =	stream.indirect_vreg.gather [hbm4b:s10+s3], $0x80, v2, vm0, $0xb8;
	[tilespmem:$0x18080] =	vst v63  }
0x15b: {  	s25 =	simm.s32 $0xB080  }
0x15c: {  	[tilespmem:s25], [sflag:$0x2] =	stream.indirect_vreg.gather [hbm4b:s11+s3], $0x80, v2, vm0, $0xb8;
	[tilespmem:$0x18080] =	vst v63  }
0x15d: {  	s29 =	simm.s32 $0xB880  }
0x15e: {  	[tilespmem:s29], [sflag:$0x2] =	stream.indirect_vreg.gather [hbm4b:s12+s3], $0x80, v2, vm0, $0xb8;
	[tilespmem:$0x18080] =	vst v63  }
0x15f: {  	s25 =	simm.s32 $0xC080  }
0x160: {  	[tilespmem:s25], [sflag:$0x2] =	stream.indirect_vreg.gather [hbm4b:s13+s3], $0x80, v2, vm0, $0xb8;
	[tilespmem:$0x18080] =	vst v63  }
0x161: {  	s29 =	simm.s32 $0xC880  }
0x162: {  	[tilespmem:s29], [sflag:$0x2] =	stream.indirect_vreg.gather [hbm4b:s14+s3], $0x80, v2, vm0, $0xb8;
	[tilespmem:$0x18080] =	vst v63  }
0x163: {  	s25 =	simm.s32 $0xD080  }
0x164: {  	[tilespmem:s25], [sflag:$0x2] =	stream.indirect_vreg.gather [hbm4b:s15+s3], $0x80, v2, vm0, $0xb8;
	[tilespmem:$0x18080] =	vst v63  }
0x165: {  	s29 =	simm.s32 $0xD880  }
0x166: {  	[tilespmem:s29], [sflag:$0x2] =	stream.indirect_vreg.gather [hbm4b:s16+s3], $0x80, v2, vm0, $0xb8;
	[tilespmem:$0x18080] =	vst v63  }
0x167: {  	s25 =	simm.s32 $0xE080  }
0x168: {  	[tilespmem:s25], [sflag:$0x2] =	stream.indirect_vreg.gather [hbm4b:s17+s3], $0x80, v2, vm0, $0xb8;
	[tilespmem:$0x18080] =	vst v63  }
0x169: {  	s29 =	simm.s32 $0xE880  }
0x16a: {  	[tilespmem:s29], [sflag:$0x2] =	stream.indirect_vreg.gather [hbm4b:s18+s3], $0x80, v2, vm0, $0xb8;
	[tilespmem:$0x18080] =	vst v63  }
0x16b: {  	s25 =	simm.s32 $0xF080  }
0x16c: {  	[tilespmem:s25], [sflag:$0x2] =	stream.indirect_vreg.gather [hbm4b:s19+s3], $0x80, v2, vm0, $0xb8;
	[tilespmem:$0x18080] =	vst v63  }
0x16d: {  	s29 =	simm.s32 $0xF880  }
0x16e: {  	[tilespmem:s29], [sflag:$0x2] =	stream.indirect_vreg.gather [hbm4b:s20+s3], $0x80, v2, vm0, $0xb8;
	[tilespmem:$0x18080] =	vst v63  }
0x16f: {  	_ =	swait.ge [sflag:s0], $0x8000  }
0x170: {  	[sflag:s0] =	ssyncset.done $0x0  }
0x171: {  	s25 =	simm.s32 $0x10080;
	s4 =	rddreg [dreg:$0x10];
	[sflag:s0] =	ssyncadd.s32 $0xFFFF8000  }
0x172: {  	[hbm4b:s4+s3] =	stream.linear.scatter [tilespmem:s25], [sflag:$0x6], $0x8000, $0x38;
	[tilespmem:$0x18080] =	vst v63  }
0x173: {  	_ =	swait.ge [sflag:s23], $0x8000  }
0x174: {  	[sflag:s23] =	ssyncset.done $0x0  }
0x175: {  	s4 =	rddreg [dreg:$0x11];
	[sflag:s23] =	ssyncadd.s32 $0xFFFF8000  }
0x176: {  	[hbm4b:s4+s3] =	stream.linear.scatter [tilespmem:s28], [sflag:$0x4], $0x8000, $0x38;
	[tilespmem:$0x18080] =	vst v63  }
0x177: {  	_ =	swait.ge [sflag:s22], $0x8000  }
0x178: {  	[sflag:s22] =	ssyncset.done $0x0  }
0x179: {  	s25 =	rddreg [dreg:$0x12];
	[sflag:s22] =	ssyncadd.s32 $0xFFFF8000  }
0x17a: {  	[hbm4b:s25+s3] =	stream.linear.scatter [tilespmem:s2], [sflag:$0x5], $0x8000, $0x38;
	[tilespmem:$0x18080] =	vst v63  }
0x17b: {  	_ =	swait.ge [sflag:s1], $0x8000  }
0x17c: {  	[sflag:s1] =	ssyncset.done $0x0  }
0x17d: {  	[sflag:s1] =	ssyncadd.s32 $0xFFFF8000  }
0x17e: {  	p0 =	sne.s32 s21, $0x1;
	_ =	swait.ge [sflag:s9], $0x8000  }
.Ltmp0:
0x17f: {  	[sflag:s9] =	ssyncset.done $0x0;
	(pc) =	sbr.rel @p0 .LBB2_1-.Ltmp0, $4  }
0x180: {  	[sflag:s9] =	ssyncadd.s32 $0xFFFF8000  }
0x181: {  	_ =	swait.ge [sflag:s24], $0x8000  }
0x182: {  	[sflag:s24] =	ssyncset.done $0x0  }
0x183: {  	s21 =	sadd.s32 $0xFFFFFFFF, s21;
	[sflag:s24] =	ssyncadd.s32 $0xFFFF8000  }
0x184: {  	_ =	sfence.sel $0x180000  }
0x185: {  	[bflag:$0x0] =	sbarrier.arrive $0xFFFF  }
0x186: {  	_ =	strace $0x90000047  }
0x187: {  	s0 =	stileid.u32;
	[bflag:$0x2] =	sbarrier.arrive $0xFFFF  }
0x188: {  	p0 =	sne.s32 s0, $0x0;
	s0 =	rddreg [dreg:$0x3]  }
0x189: {  	s0 =	sadd.s32 @!p0 $0x100000, s0  }
0x18a: {  	[sflag:s0] =	ssyncadd.tile.s32 @!p0 $0x1;
	_ =	shalt  }
.Lfunc_end2:
_tile_overlayer_lowered:
.L_overlay_start_2:
0x18b: {  	(tag) =	ssettag $0x2  }
0x18c: {  	s0 =	rddreg [dreg:$0x0];
	s2 =	stileid.u32  }
0x18d: {  	s1 =	rddreg [dreg:$0x1];
	p0 =	sne.s32 s2, $0x0  }
0x18e: {  	s3 =	rddreg [dreg:$0x2];
	[bflag:$0x3] =	sbarrier.arrive $0xFFFF;
	s2 =	simm.s32 @!p0 $0x1C07  }
0x18f: {  	[timem:s3], [sflag:s2] =	dma.local @!p0 [hbm:s0], s1  }
0x190: {  	s0 =	simm.s32 @!p0 $0x7  }
0x191: {  	_ =	swait.ge @!p0 [sflag:s0], s1  }
0x192: {  	s1 =	ssub.s32 @!p0 $0x0, s1;
	[sflag:s0] =	ssyncset.done @!p0 $0x0  }
0x193: {  	[sflag:s0] =	ssyncadd.s32 @!p0 s1  }
0x194: {  	[bflag:$0x3] =	sbarrier.arrive $0xFFFF  }
0x195: {  	_ =	shalt  }

</sc_bundles>
